<compile_context>
chip_gen: v7x
topology: tpu7x:2x2x1
jax: 0.10.2.dev20260603
libtpu: 0.0.44.dev20260713+nightly
codegen_flags: <defaults>
</compile_context>

<pallas_src>
import functools

import jax
import jax.numpy as jnp
from jax import lax
from jax.experimental import pallas as pl
from jax.experimental.pallas import tpu as pltpu
from jax.experimental.pallas import tpu_sc as plsc

_D = 64
_BATCH = 16384
_MAXIDX = 1023
_NW = 32
_BPW = _BATCH // _NW
_CHUNK = 128
_NCHUNK = _BPW // _CHUNK
_LANES = 16
_C8 = _D // 8
_BLK = _NCHUNK * 8 * 128


@functools.partial(
    pl.kernel,
    out_type=jax.ShapeDtypeStruct((_BATCH * _D,), jnp.float32),
    mesh=plsc.VectorSubcoreMesh(core_axis_name="c", subcore_axis_name="s"),
    scratch_types=[
        pltpu.VMEM((_BPW,), jnp.float32),
        pltpu.VMEM((_NCHUNK, _CHUNK), jnp.int32),
        pltpu.VMEM((_BPW, _D), jnp.float32),
        pltpu.VMEM((_C8 * _BLK,), jnp.float32),
        pltpu.SemaphoreType.DMA,
        pltpu.SemaphoreType.DMA,
    ],
    compiler_params=pltpu.CompilerParams(
        use_tc_tiling_on_sc=False, needs_layout_passes=False
    ),
)
def _recency_gather(rec_hbm, table_hbm, out_hbm, rec_v, idx_v, rows_v, blk_v,
                    sem_g, sem_o):
    wid = lax.axis_index("s") * 2 + lax.axis_index("c")
    base = wid * _BPW
    pltpu.sync_copy(rec_hbm.at[pl.ds(base, _BPW)], rec_v)

    vecs_per_chunk = _CHUNK // _LANES
    gathers = []
    for j in range(_NCHUNK):
        for i in range(vecs_per_chunk):
            r = rec_v[pl.ds(j * _CHUNK + i * _LANES, _LANES)]
            ix = jnp.minimum((r * 0.5).astype(jnp.int32), _MAXIDX)
            idx_v[j, pl.ds(i * _LANES, _LANES)] = ix
        gathers.append(
            pltpu.async_copy(
                table_hbm.at[idx_v.at[j]],
                rows_v.at[pl.ds(j * _CHUNK, _CHUNK)],
                sem_g,
            )
        )

    iota = lax.iota(jnp.int32, _LANES)
    half = iota // 8
    low = iota - half * 8
    colpat = [half * _BLK + low * 128 + (2 * c0) * _BLK for c0 in range(_D // _LANES)]

    for k in range(_NCHUNK):
        gathers[k].wait()

        @plsc.parallel_loop(0, _CHUNK, unroll=8)
        def _tbody(d3, k=k):
            rbase = k * 1024 + d3
            for c0 in range(_D // _LANES):
                v = rows_v[_CHUNK * k + d3, pl.ds(_LANES * c0, _LANES)]
                plsc.store_scatter(blk_v, [colpat[c0] + rbase], v)

    writes = []
    for c8 in range(_C8):
        writes.append(
            pltpu.async_copy(
                blk_v.at[pl.ds(c8 * _BLK, _BLK)],
                out_hbm.at[pl.ds(c8 * (_BATCH * 8) + wid * _BLK, _BLK)],
                sem_o,
            )
        )
    for w in writes:
        w.wait()


def kernel(recency, table):
    x = _recency_gather(recency, table)
    x = x.reshape(_C8, _BATCH // 128, 8, 128)
    return x.transpose(1, 3, 0, 2).reshape(_BATCH, _D)

# --- scband reference (transcript-rebuilt; emitter-appended) ---
"""Pipeline reference for scband-recency-embedding-57269093925448 (READ-ONLY COPY).

The authoritative reference and input builder live on the scoring server;
editing this copy changes nothing except your own understanding.
"""

import jax, jax.numpy as jnp
import numpy as np

R_SIZE = 64
MAX_RECENCY = 1024
RECENCY_FACTOR = 0.5
BATCH = 16384


def setup_inputs(seed: int = 0) -> dict:
    key = jax.random.key(seed)
    k_rec, k_tab = jax.random.split(key)
    # recency: hours since publish, integer-valued floats in [0, 2000)
    recency = jax.random.randint(k_rec, (BATCH,), 0, 2000).astype(jnp.float32)
    # learned embedding table (nn.Embedding weight), normal init like torch default
    table = jax.random.normal(k_tab, (MAX_RECENCY, R_SIZE), dtype=jnp.float32)
    return {"recency": recency, "table": table}


def reference(recency, table):
    # recency_factored = floor(recency * recency_factor).long()
    recency_factored = jnp.floor(recency * RECENCY_FACTOR).astype(jnp.int32)
    # clamp(max=max_recency - 1)  (only upper clamp, matching torch)
    recency_clipped = jnp.minimum(recency_factored, MAX_RECENCY - 1)
    # embedding lookup -> gather rows
    r = jnp.take(table, recency_clipped, axis=0)
    return r

if __name__ == "__main__":
    import jax
    _d = setup_inputs()
    print(jax.jit(kernel)(*tuple(_d.values())))

</pallas_src>

<mosaic_0001>
#map = affine_map<(d0, d1) -> (0)>
#map1 = affine_map<(d0, d1) -> (0, 0)>
module attributes {stable_mosaic.version = 14 : i64} {
  func.func @_recency_gather(%arg0: i32, %arg1: i32, %arg2: memref<16384xf32, #tpu.memory_space<hbm>>, %arg3: memref<1024x64xf32, #tpu.memory_space<hbm>>, %arg4: memref<1048576xf32, #tpu.memory_space<hbm>>, %arg5: memref<512xf32, #tpu.memory_space<vmem>>, %arg6: memref<4x128xi32, #tpu.memory_space<vmem>>, %arg7: memref<512x64xf32, #tpu.memory_space<vmem>>, %arg8: memref<32768xf32, #tpu.memory_space<vmem>>, %arg9: memref<!tpu.dma_semaphore, #tpu.memory_space<semaphore_mem>>, %arg10: memref<!tpu.dma_semaphore, #tpu.memory_space<semaphore_mem>>) attributes {dimension_semantics = [#tpu.dimension_semantics<core_parallel>, #tpu.dimension_semantics<subcore_parallel>], iteration_bounds = array<i64: 2, 16>, scalar_prefetch = 0 : i64, scratch_operands = 6 : i64, tpu.core_type = #tpu.core_type<sc_vector_subcore>, window_params = [{transform_indices = #map}, {transform_indices = #map1}, {transform_indices = #map}]} {
    %mul3A = arith.constant 2 : i32
    %mul3A_0 = arith.muli %arg1, %mul3A : i32
    %add3A = arith.addi %mul3A_0, %arg0 : i32
    %mul3A_1 = arith.constant 512 : i32
    %mul3A_2 = arith.muli %add3A, %mul3A_1 : i32
    "tpu.region"() ({
      %run_scoped3A = tpu.sem_alloc : memref<!tpu.dma_semaphore, #tpu.memory_space<semaphore_mem>>
      %dma_start3A_699 = tpu.memref_slice %arg2[%mul3A_2] : memref<16384xf32, #tpu.memory_space<hbm>> -> memref<512xf32, #tpu.memory_space<hbm>>
      %dma_start3A_700 = tpu.memref_slice %arg2[%mul3A_2] : memref<16384xf32, #tpu.memory_space<hbm>> -> memref<512xf32, #tpu.memory_space<hbm>>
      tpu.enqueue_dma source(%dma_start3A_700 : memref<512xf32, #tpu.memory_space<hbm>>) target(%arg5 : memref<512xf32, #tpu.memory_space<vmem>>) target_semaphore(%run_scoped3A : memref<!tpu.dma_semaphore, #tpu.memory_space<semaphore_mem>>)
      %dma_wait3A_701 = tpu.memref_slice %arg2[%mul3A_2] : memref<16384xf32, #tpu.memory_space<hbm>> -> memref<512xf32, #tpu.memory_space<hbm>>
      %dma_wait3A_702 = tpu.memref_slice %arg2[%mul3A_2] : memref<16384xf32, #tpu.memory_space<hbm>> -> memref<512xf32, #tpu.memory_space<hbm>>
      tpu.wait_dma2 semaphore(%run_scoped3A : memref<!tpu.dma_semaphore, #tpu.memory_space<semaphore_mem>>) src(%dma_wait3A_702 : memref<512xf32, #tpu.memory_space<hbm>>) dst(%arg5 : memref<512xf32, #tpu.memory_space<vmem>>)
      tpu.yield
    }) : () -> ()
    %get3A = arith.constant 0 : index
    %get3A_3 = tpu.vector_load %arg5[%get3A] {strides = array<i32>} : memref<512xf32, #tpu.memory_space<vmem>>, vector<16xf32>,
    %mul3A_4 = arith.constant 5.000000e-01 : f32
    %mul3A_5 = vector.broadcast %mul3A_4 : f32 to vector<16xf32>
    %mul3A_6 = arith.mulf %get3A_3, %mul3A_5 : vector<16xf32>
    %convert_element_type3A = arith.fptosi %mul3A_6 : vector<16xf32> to vector<16xi32>
    %min3A = arith.constant 1023 : i32
    %min3A_7 = vector.broadcast %min3A : i32 to vector<16xi32>
    %min3A_8 = arith.minsi %convert_element_type3A, %min3A_7 : vector<16xi32>
    %swap3A = arith.constant 0 : i32
    %swap3A_9 = arith.index_cast %swap3A : i32 to index
    %swap3A_10 = arith.constant 0 : index
    %swap3A_11 = tpu.vector_load %arg6[%swap3A_9, %swap3A_10] {strides = array<i32>} : memref<4x128xi32, #tpu.memory_space<vmem>>, vector<16xi32>,
    tpu.vector_store %arg6[%swap3A_9, %swap3A_10], %min3A_8 {strides = array<i32>} : memref<4x128xi32, #tpu.memory_space<vmem>>, vector<16xi32>,
    %get3A_12 = arith.constant 16 : index
    %get3A_13 = tpu.vector_load %arg5[%get3A_12] {strides = array<i32>} : memref<512xf32, #tpu.memory_space<vmem>>, vector<16xf32>,
    %mul3A_14 = arith.constant 5.000000e-01 : f32
    %mul3A_15 = vector.broadcast %mul3A_14 : f32 to vector<16xf32>
    %mul3A_16 = arith.mulf %get3A_13, %mul3A_15 : vector<16xf32>
    %convert_element_type3A_17 = arith.fptosi %mul3A_16 : vector<16xf32> to vector<16xi32>
    %min3A_18 = arith.constant 1023 : i32
    %min3A_19 = vector.broadcast %min3A_18 : i32 to vector<16xi32>
    %min3A_20 = arith.minsi %convert_element_type3A_17, %min3A_19 : vector<16xi32>
    %swap3A_21 = arith.constant 0 : i32
    %swap3A_22 = arith.index_cast %swap3A_21 : i32 to index
    %swap3A_23 = arith.constant 16 : index
    %swap3A_24 = tpu.vector_load %arg6[%swap3A_22, %swap3A_23] {strides = array<i32>} : memref<4x128xi32, #tpu.memory_space<vmem>>, vector<16xi32>,
    tpu.vector_store %arg6[%swap3A_22, %swap3A_23], %min3A_20 {strides = array<i32>} : memref<4x128xi32, #tpu.memory_space<vmem>>, vector<16xi32>,
    %get3A_25 = arith.constant 32 : index
    %get3A_26 = tpu.vector_load %arg5[%get3A_25] {strides = array<i32>} : memref<512xf32, #tpu.memory_space<vmem>>, vector<16xf32>,
    %mul3A_27 = arith.constant 5.000000e-01 : f32
    %mul3A_28 = vector.broadcast %mul3A_27 : f32 to vector<16xf32>
    %mul3A_29 = arith.mulf %get3A_26, %mul3A_28 : vector<16xf32>
    %convert_element_type3A_30 = arith.fptosi %mul3A_29 : vector<16xf32> to vector<16xi32>
    %min3A_31 = arith.constant 1023 : i32
    %min3A_32 = vector.broadcast %min3A_31 : i32 to vector<16xi32>
    %min3A_33 = arith.minsi %convert_element_type3A_30, %min3A_32 : vector<16xi32>
    %swap3A_34 = arith.constant 0 : i32
    %swap3A_35 = arith.index_cast %swap3A_34 : i32 to index
    %swap3A_36 = arith.constant 32 : index
    %swap3A_37 = tpu.vector_load %arg6[%swap3A_35, %swap3A_36] {strides = array<i32>} : memref<4x128xi32, #tpu.memory_space<vmem>>, vector<16xi32>,
    tpu.vector_store %arg6[%swap3A_35, %swap3A_36], %min3A_33 {strides = array<i32>} : memref<4x128xi32, #tpu.memory_space<vmem>>, vector<16xi32>,
    %get3A_38 = arith.constant 48 : index
    %get3A_39 = tpu.vector_load %arg5[%get3A_38] {strides = array<i32>} : memref<512xf32, #tpu.memory_space<vmem>>, vector<16xf32>,
    %mul3A_40 = arith.constant 5.000000e-01 : f32
    %mul3A_41 = vector.broadcast %mul3A_40 : f32 to vector<16xf32>
    %mul3A_42 = arith.mulf %get3A_39, %mul3A_41 : vector<16xf32>
    %convert_element_type3A_43 = arith.fptosi %mul3A_42 : vector<16xf32> to vector<16xi32>
    %min3A_44 = arith.constant 1023 : i32
    %min3A_45 = vector.broadcast %min3A_44 : i32 to vector<16xi32>
    %min3A_46 = arith.minsi %convert_element_type3A_43, %min3A_45 : vector<16xi32>
    %swap3A_47 = arith.constant 0 : i32
    %swap3A_48 = arith.index_cast %swap3A_47 : i32 to index
    %swap3A_49 = arith.constant 48 : index
    %swap3A_50 = tpu.vector_load %arg6[%swap3A_48, %swap3A_49] {strides = array<i32>} : memref<4x128xi32, #tpu.memory_space<vmem>>, vector<16xi32>,
    tpu.vector_store %arg6[%swap3A_48, %swap3A_49], %min3A_46 {strides = array<i32>} : memref<4x128xi32, #tpu.memory_space<vmem>>, vector<16xi32>,
    %get3A_51 = arith.constant 64 : index
    %get3A_52 = tpu.vector_load %arg5[%get3A_51] {strides = array<i32>} : memref<512xf32, #tpu.memory_space<vmem>>, vector<16xf32>,
    %mul3A_53 = arith.constant 5.000000e-01 : f32
    %mul3A_54 = vector.broadcast %mul3A_53 : f32 to vector<16xf32>
    %mul3A_55 = arith.mulf %get3A_52, %mul3A_54 : vector<16xf32>
    %convert_element_type3A_56 = arith.fptosi %mul3A_55 : vector<16xf32> to vector<16xi32>
    %min3A_57 = arith.constant 1023 : i32
    %min3A_58 = vector.broadcast %min3A_57 : i32 to vector<16xi32>
    %min3A_59 = arith.minsi %convert_element_type3A_56, %min3A_58 : vector<16xi32>
    %swap3A_60 = arith.constant 0 : i32
    %swap3A_61 = arith.index_cast %swap3A_60 : i32 to index
    %swap3A_62 = arith.constant 64 : index
    %swap3A_63 = tpu.vector_load %arg6[%swap3A_61, %swap3A_62] {strides = array<i32>} : memref<4x128xi32, #tpu.memory_space<vmem>>, vector<16xi32>,
    tpu.vector_store %arg6[%swap3A_61, %swap3A_62], %min3A_59 {strides = array<i32>} : memref<4x128xi32, #tpu.memory_space<vmem>>, vector<16xi32>,
    %get3A_64 = arith.constant 80 : index
    %get3A_65 = tpu.vector_load %arg5[%get3A_64] {strides = array<i32>} : memref<512xf32, #tpu.memory_space<vmem>>, vector<16xf32>,
    %mul3A_66 = arith.constant 5.000000e-01 : f32
    %mul3A_67 = vector.broadcast %mul3A_66 : f32 to vector<16xf32>
    %mul3A_68 = arith.mulf %get3A_65, %mul3A_67 : vector<16xf32>
    %convert_element_type3A_69 = arith.fptosi %mul3A_68 : vector<16xf32> to vector<16xi32>
    %min3A_70 = arith.constant 1023 : i32
    %min3A_71 = vector.broadcast %min3A_70 : i32 to vector<16xi32>
    %min3A_72 = arith.minsi %convert_element_type3A_69, %min3A_71 : vector<16xi32>
    %swap3A_73 = arith.constant 0 : i32
    %swap3A_74 = arith.index_cast %swap3A_73 : i32 to index
    %swap3A_75 = arith.constant 80 : index
    %swap3A_76 = tpu.vector_load %arg6[%swap3A_74, %swap3A_75] {strides = array<i32>} : memref<4x128xi32, #tpu.memory_space<vmem>>, vector<16xi32>,
    tpu.vector_store %arg6[%swap3A_74, %swap3A_75], %min3A_72 {strides = array<i32>} : memref<4x128xi32, #tpu.memory_space<vmem>>, vector<16xi32>,
    %get3A_77 = arith.constant 96 : index
    %get3A_78 = tpu.vector_load %arg5[%get3A_77] {strides = array<i32>} : memref<512xf32, #tpu.memory_space<vmem>>, vector<16xf32>,
    %mul3A_79 = arith.constant 5.000000e-01 : f32
    %mul3A_80 = vector.broadcast %mul3A_79 : f32 to vector<16xf32>
    %mul3A_81 = arith.mulf %get3A_78, %mul3A_80 : vector<16xf32>
    %convert_element_type3A_82 = arith.fptosi %mul3A_81 : vector<16xf32> to vector<16xi32>
    %min3A_83 = arith.constant 1023 : i32
    %min3A_84 = vector.broadcast %min3A_83 : i32 to vector<16xi32>
    %min3A_85 = arith.minsi %convert_element_type3A_82, %min3A_84 : vector<16xi32>
    %swap3A_86 = arith.constant 0 : i32
    %swap3A_87 = arith.index_cast %swap3A_86 : i32 to index
    %swap3A_88 = arith.constant 96 : index
    %swap3A_89 = tpu.vector_load %arg6[%swap3A_87, %swap3A_88] {strides = array<i32>} : memref<4x128xi32, #tpu.memory_space<vmem>>, vector<16xi32>,
    tpu.vector_store %arg6[%swap3A_87, %swap3A_88], %min3A_85 {strides = array<i32>} : memref<4x128xi32, #tpu.memory_space<vmem>>, vector<16xi32>,
    %get3A_90 = arith.constant 112 : index
    %get3A_91 = tpu.vector_load %arg5[%get3A_90] {strides = array<i32>} : memref<512xf32, #tpu.memory_space<vmem>>, vector<16xf32>,
    %mul3A_92 = arith.constant 5.000000e-01 : f32
    %mul3A_93 = vector.broadcast %mul3A_92 : f32 to vector<16xf32>
    %mul3A_94 = arith.mulf %get3A_91, %mul3A_93 : vector<16xf32>
    %convert_element_type3A_95 = arith.fptosi %mul3A_94 : vector<16xf32> to vector<16xi32>
    %min3A_96 = arith.constant 1023 : i32
    %min3A_97 = vector.broadcast %min3A_96 : i32 to vector<16xi32>
    %min3A_98 = arith.minsi %convert_element_type3A_95, %min3A_97 : vector<16xi32>
    %swap3A_99 = arith.constant 0 : i32
    %swap3A_100 = arith.index_cast %swap3A_99 : i32 to index
    %swap3A_101 = arith.constant 112 : index
    %swap3A_102 = tpu.vector_load %arg6[%swap3A_100, %swap3A_101] {strides = array<i32>} : memref<4x128xi32, #tpu.memory_space<vmem>>, vector<16xi32>,
    tpu.vector_store %arg6[%swap3A_100, %swap3A_101], %min3A_98 {strides = array<i32>} : memref<4x128xi32, #tpu.memory_space<vmem>>, vector<16xi32>,
    %dma_start3A = arith.constant 0 : i32
    %dma_start3A_103 = arith.constant 0 : i32
    %dma_start3A_104 = arith.constant 0 : i32
    %dma_start3A_105 = tpu.memref_slice %arg7[%dma_start3A_103, %dma_start3A_104] : memref<512x64xf32, #tpu.memory_space<vmem>> -> memref<128x64xf32, #tpu.memory_space<vmem>>
    %dma_start3A_106 = arith.constant 0 : i32
    %dma_start3A_107 = tpu.memref_slice %arg6[%dma_start3A, %dma_start3A_106] : memref<4x128xi32, #tpu.memory_space<vmem>> -> memref<1x128xi32, #tpu.memory_space<vmem>>
    %dma_start3A_108 = tpu.memref_squeeze %dma_start3A_107 : memref<1x128xi32, #tpu.memory_space<vmem>> -> memref<128xi32, #tpu.memory_space<vmem>>
    %dma_start3A_109 = arith.constant 0 : i32
    %dma_start3A_110 = arith.constant 0 : i32
    %dma_start3A_111 = tpu.memref_slice %arg3[%dma_start3A_109, %dma_start3A_110] : memref<1024x64xf32, #tpu.memory_space<hbm>> -> memref<1024x64xf32, #tpu.memory_space<hbm>>
    tpu.enqueue_indirect_dma source(%dma_start3A_111 : memref<1024x64xf32, #tpu.memory_space<hbm>>) target(%dma_start3A_105 : memref<128x64xf32, #tpu.memory_space<vmem>>) offsets(%dma_start3A_108 : memref<128xi32, #tpu.memory_space<vmem>>) semaphore(%arg9 : memref<!tpu.dma_semaphore, #tpu.memory_space<semaphore_mem>>)
    %get3A_112 = arith.constant 128 : index
    %get3A_113 = tpu.vector_load %arg5[%get3A_112] {strides = array<i32>} : memref<512xf32, #tpu.memory_space<vmem>>, vector<16xf32>,
    %mul3A_114 = arith.constant 5.000000e-01 : f32
    %mul3A_115 = vector.broadcast %mul3A_114 : f32 to vector<16xf32>
    %mul3A_116 = arith.mulf %get3A_113, %mul3A_115 : vector<16xf32>
    %convert_element_type3A_117 = arith.fptosi %mul3A_116 : vector<16xf32> to vector<16xi32>
    %min3A_118 = arith.constant 1023 : i32
    %min3A_119 = vector.broadcast %min3A_118 : i32 to vector<16xi32>
    %min3A_120 = arith.minsi %convert_element_type3A_117, %min3A_119 : vector<16xi32>
    %swap3A_121 = arith.constant 1 : i32
    %swap3A_122 = arith.index_cast %swap3A_121 : i32 to index
    %swap3A_123 = arith.constant 0 : index
    %swap3A_124 = tpu.vector_load %arg6[%swap3A_122, %swap3A_123] {strides = array<i32>} : memref<4x128xi32, #tpu.memory_space<vmem>>, vector<16xi32>,
    tpu.vector_store %arg6[%swap3A_122, %swap3A_123], %min3A_120 {strides = array<i32>} : memref<4x128xi32, #tpu.memory_space<vmem>>, vector<16xi32>,
    %get3A_125 = arith.constant 144 : index
    %get3A_126 = tpu.vector_load %arg5[%get3A_125] {strides = array<i32>} : memref<512xf32, #tpu.memory_space<vmem>>, vector<16xf32>,
    %mul3A_127 = arith.constant 5.000000e-01 : f32
    %mul3A_128 = vector.broadcast %mul3A_127 : f32 to vector<16xf32>
    %mul3A_129 = arith.mulf %get3A_126, %mul3A_128 : vector<16xf32>
    %convert_element_type3A_130 = arith.fptosi %mul3A_129 : vector<16xf32> to vector<16xi32>
    %min3A_131 = arith.constant 1023 : i32
    %min3A_132 = vector.broadcast %min3A_131 : i32 to vector<16xi32>
    %min3A_133 = arith.minsi %convert_element_type3A_130, %min3A_132 : vector<16xi32>
    %swap3A_134 = arith.constant 1 : i32
    %swap3A_135 = arith.index_cast %swap3A_134 : i32 to index
    %swap3A_136 = arith.constant 16 : index
    %swap3A_137 = tpu.vector_load %arg6[%swap3A_135, %swap3A_136] {strides = array<i32>} : memref<4x128xi32, #tpu.memory_space<vmem>>, vector<16xi32>,
    tpu.vector_store %arg6[%swap3A_135, %swap3A_136], %min3A_133 {strides = array<i32>} : memref<4x128xi32, #tpu.memory_space<vmem>>, vector<16xi32>,
    %get3A_138 = arith.constant 160 : index
    %get3A_139 = tpu.vector_load %arg5[%get3A_138] {strides = array<i32>} : memref<512xf32, #tpu.memory_space<vmem>>, vector<16xf32>,
    %mul3A_140 = arith.constant 5.000000e-01 : f32
    %mul3A_141 = vector.broadcast %mul3A_140 : f32 to vector<16xf32>
    %mul3A_142 = arith.mulf %get3A_139, %mul3A_141 : vector<16xf32>
    %convert_element_type3A_143 = arith.fptosi %mul3A_142 : vector<16xf32> to vector<16xi32>
    %min3A_144 = arith.constant 1023 : i32
    %min3A_145 = vector.broadcast %min3A_144 : i32 to vector<16xi32>
    %min3A_146 = arith.minsi %convert_element_type3A_143, %min3A_145 : vector<16xi32>
    %swap3A_147 = arith.constant 1 : i32
    %swap3A_148 = arith.index_cast %swap3A_147 : i32 to index
    %swap3A_149 = arith.constant 32 : index
    %swap3A_150 = tpu.vector_load %arg6[%swap3A_148, %swap3A_149] {strides = array<i32>} : memref<4x128xi32, #tpu.memory_space<vmem>>, vector<16xi32>,
    tpu.vector_store %arg6[%swap3A_148, %swap3A_149], %min3A_146 {strides = array<i32>} : memref<4x128xi32, #tpu.memory_space<vmem>>, vector<16xi32>,
    %get3A_151 = arith.constant 176 : index
    %get3A_152 = tpu.vector_load %arg5[%get3A_151] {strides = array<i32>} : memref<512xf32, #tpu.memory_space<vmem>>, vector<16xf32>,
    %mul3A_153 = arith.constant 5.000000e-01 : f32
    %mul3A_154 = vector.broadcast %mul3A_153 : f32 to vector<16xf32>
    %mul3A_155 = arith.mulf %get3A_152, %mul3A_154 : vector<16xf32>
    %convert_element_type3A_156 = arith.fptosi %mul3A_155 : vector<16xf32> to vector<16xi32>
    %min3A_157 = arith.constant 1023 : i32
    %min3A_158 = vector.broadcast %min3A_157 : i32 to vector<16xi32>
    %min3A_159 = arith.minsi %convert_element_type3A_156, %min3A_158 : vector<16xi32>
    %swap3A_160 = arith.constant 1 : i32
    %swap3A_161 = arith.index_cast %swap3A_160 : i32 to index
    %swap3A_162 = arith.constant 48 : index
    %swap3A_163 = tpu.vector_load %arg6[%swap3A_161, %swap3A_162] {strides = array<i32>} : memref<4x128xi32, #tpu.memory_space<vmem>>, vector<16xi32>,
    tpu.vector_store %arg6[%swap3A_161, %swap3A_162], %min3A_159 {strides = array<i32>} : memref<4x128xi32, #tpu.memory_space<vmem>>, vector<16xi32>,
    %get3A_164 = arith.constant 192 : index
    %get3A_165 = tpu.vector_load %arg5[%get3A_164] {strides = array<i32>} : memref<512xf32, #tpu.memory_space<vmem>>, vector<16xf32>,
    %mul3A_166 = arith.constant 5.000000e-01 : f32
    %mul3A_167 = vector.broadcast %mul3A_166 : f32 to vector<16xf32>
    %mul3A_168 = arith.mulf %get3A_165, %mul3A_167 : vector<16xf32>
    %convert_element_type3A_169 = arith.fptosi %mul3A_168 : vector<16xf32> to vector<16xi32>
    %min3A_170 = arith.constant 1023 : i32
    %min3A_171 = vector.broadcast %min3A_170 : i32 to vector<16xi32>
    %min3A_172 = arith.minsi %convert_element_type3A_169, %min3A_171 : vector<16xi32>
    %swap3A_173 = arith.constant 1 : i32
    %swap3A_174 = arith.index_cast %swap3A_173 : i32 to index
    %swap3A_175 = arith.constant 64 : index
    %swap3A_176 = tpu.vector_load %arg6[%swap3A_174, %swap3A_175] {strides = array<i32>} : memref<4x128xi32, #tpu.memory_space<vmem>>, vector<16xi32>,
    tpu.vector_store %arg6[%swap3A_174, %swap3A_175], %min3A_172 {strides = array<i32>} : memref<4x128xi32, #tpu.memory_space<vmem>>, vector<16xi32>,
    %get3A_177 = arith.constant 208 : index
    %get3A_178 = tpu.vector_load %arg5[%get3A_177] {strides = array<i32>} : memref<512xf32, #tpu.memory_space<vmem>>, vector<16xf32>,
    %mul3A_179 = arith.constant 5.000000e-01 : f32
    %mul3A_180 = vector.broadcast %mul3A_179 : f32 to vector<16xf32>
    %mul3A_181 = arith.mulf %get3A_178, %mul3A_180 : vector<16xf32>
    %convert_element_type3A_182 = arith.fptosi %mul3A_181 : vector<16xf32> to vector<16xi32>
    %min3A_183 = arith.constant 1023 : i32
    %min3A_184 = vector.broadcast %min3A_183 : i32 to vector<16xi32>
    %min3A_185 = arith.minsi %convert_element_type3A_182, %min3A_184 : vector<16xi32>
    %swap3A_186 = arith.constant 1 : i32
    %swap3A_187 = arith.index_cast %swap3A_186 : i32 to index
    %swap3A_188 = arith.constant 80 : index
    %swap3A_189 = tpu.vector_load %arg6[%swap3A_187, %swap3A_188] {strides = array<i32>} : memref<4x128xi32, #tpu.memory_space<vmem>>, vector<16xi32>,
    tpu.vector_store %arg6[%swap3A_187, %swap3A_188], %min3A_185 {strides = array<i32>} : memref<4x128xi32, #tpu.memory_space<vmem>>, vector<16xi32>,
    %get3A_190 = arith.constant 224 : index
    %get3A_191 = tpu.vector_load %arg5[%get3A_190] {strides = array<i32>} : memref<512xf32, #tpu.memory_space<vmem>>, vector<16xf32>,
    %mul3A_192 = arith.constant 5.000000e-01 : f32
    %mul3A_193 = vector.broadcast %mul3A_192 : f32 to vector<16xf32>
    %mul3A_194 = arith.mulf %get3A_191, %mul3A_193 : vector<16xf32>
    %convert_element_type3A_195 = arith.fptosi %mul3A_194 : vector<16xf32> to vector<16xi32>
    %min3A_196 = arith.constant 1023 : i32
    %min3A_197 = vector.broadcast %min3A_196 : i32 to vector<16xi32>
    %min3A_198 = arith.minsi %convert_element_type3A_195, %min3A_197 : vector<16xi32>
    %swap3A_199 = arith.constant 1 : i32
    %swap3A_200 = arith.index_cast %swap3A_199 : i32 to index
    %swap3A_201 = arith.constant 96 : index
    %swap3A_202 = tpu.vector_load %arg6[%swap3A_200, %swap3A_201] {strides = array<i32>} : memref<4x128xi32, #tpu.memory_space<vmem>>, vector<16xi32>,
    tpu.vector_store %arg6[%swap3A_200, %swap3A_201], %min3A_198 {strides = array<i32>} : memref<4x128xi32, #tpu.memory_space<vmem>>, vector<16xi32>,
    %get3A_203 = arith.constant 240 : index
    %get3A_204 = tpu.vector_load %arg5[%get3A_203] {strides = array<i32>} : memref<512xf32, #tpu.memory_space<vmem>>, vector<16xf32>,
    %mul3A_205 = arith.constant 5.000000e-01 : f32
    %mul3A_206 = vector.broadcast %mul3A_205 : f32 to vector<16xf32>
    %mul3A_207 = arith.mulf %get3A_204, %mul3A_206 : vector<16xf32>
    %convert_element_type3A_208 = arith.fptosi %mul3A_207 : vector<16xf32> to vector<16xi32>
    %min3A_209 = arith.constant 1023 : i32
    %min3A_210 = vector.broadcast %min3A_209 : i32 to vector<16xi32>
    %min3A_211 = arith.minsi %convert_element_type3A_208, %min3A_210 : vector<16xi32>
    %swap3A_212 = arith.constant 1 : i32
    %swap3A_213 = arith.index_cast %swap3A_212 : i32 to index
    %swap3A_214 = arith.constant 112 : index
    %swap3A_215 = tpu.vector_load %arg6[%swap3A_213, %swap3A_214] {strides = array<i32>} : memref<4x128xi32, #tpu.memory_space<vmem>>, vector<16xi32>,
    tpu.vector_store %arg6[%swap3A_213, %swap3A_214], %min3A_211 {strides = array<i32>} : memref<4x128xi32, #tpu.memory_space<vmem>>, vector<16xi32>,
    %dma_start3A_216 = arith.constant 1 : i32
    %dma_start3A_217 = arith.constant 128 : i32
    %dma_start3A_218 = arith.constant 0 : i32
    %dma_start3A_219 = tpu.memref_slice %arg7[%dma_start3A_217, %dma_start3A_218] : memref<512x64xf32, #tpu.memory_space<vmem>> -> memref<128x64xf32, #tpu.memory_space<vmem>>
    %dma_start3A_220 = arith.constant 0 : i32
    %dma_start3A_221 = tpu.memref_slice %arg6[%dma_start3A_216, %dma_start3A_220] : memref<4x128xi32, #tpu.memory_space<vmem>> -> memref<1x128xi32, #tpu.memory_space<vmem>>
    %dma_start3A_222 = tpu.memref_squeeze %dma_start3A_221 : memref<1x128xi32, #tpu.memory_space<vmem>> -> memref<128xi32, #tpu.memory_space<vmem>>
    %dma_start3A_223 = arith.constant 0 : i32
    %dma_start3A_224 = arith.constant 0 : i32
    %dma_start3A_225 = tpu.memref_slice %arg3[%dma_start3A_223, %dma_start3A_224] : memref<1024x64xf32, #tpu.memory_space<hbm>> -> memref<1024x64xf32, #tpu.memory_space<hbm>>
    tpu.enqueue_indirect_dma source(%dma_start3A_225 : memref<1024x64xf32, #tpu.memory_space<hbm>>) target(%dma_start3A_219 : memref<128x64xf32, #tpu.memory_space<vmem>>) offsets(%dma_start3A_222 : memref<128xi32, #tpu.memory_space<vmem>>) semaphore(%arg9 : memref<!tpu.dma_semaphore, #tpu.memory_space<semaphore_mem>>)
    %get3A_226 = arith.constant 256 : index
    %get3A_227 = tpu.vector_load %arg5[%get3A_226] {strides = array<i32>} : memref<512xf32, #tpu.memory_space<vmem>>, vector<16xf32>,
    %mul3A_228 = arith.constant 5.000000e-01 : f32
    %mul3A_229 = vector.broadcast %mul3A_228 : f32 to vector<16xf32>
    %mul3A_230 = arith.mulf %get3A_227, %mul3A_229 : vector<16xf32>
    %convert_element_type3A_231 = arith.fptosi %mul3A_230 : vector<16xf32> to vector<16xi32>
    %min3A_232 = arith.constant 1023 : i32
    %min3A_233 = vector.broadcast %min3A_232 : i32 to vector<16xi32>
    %min3A_234 = arith.minsi %convert_element_type3A_231, %min3A_233 : vector<16xi32>
    %swap3A_235 = arith.constant 2 : i32
    %swap3A_236 = arith.index_cast %swap3A_235 : i32 to index
    %swap3A_237 = arith.constant 0 : index
    %swap3A_238 = tpu.vector_load %arg6[%swap3A_236, %swap3A_237] {strides = array<i32>} : memref<4x128xi32, #tpu.memory_space<vmem>>, vector<16xi32>,
    tpu.vector_store %arg6[%swap3A_236, %swap3A_237], %min3A_234 {strides = array<i32>} : memref<4x128xi32, #tpu.memory_space<vmem>>, vector<16xi32>,
    %get3A_239 = arith.constant 272 : index
    %get3A_240 = tpu.vector_load %arg5[%get3A_239] {strides = array<i32>} : memref<512xf32, #tpu.memory_space<vmem>>, vector<16xf32>,
    %mul3A_241 = arith.constant 5.000000e-01 : f32
    %mul3A_242 = vector.broadcast %mul3A_241 : f32 to vector<16xf32>
    %mul3A_243 = arith.mulf %get3A_240, %mul3A_242 : vector<16xf32>
    %convert_element_type3A_244 = arith.fptosi %mul3A_243 : vector<16xf32> to vector<16xi32>
    %min3A_245 = arith.constant 1023 : i32
    %min3A_246 = vector.broadcast %min3A_245 : i32 to vector<16xi32>
    %min3A_247 = arith.minsi %convert_element_type3A_244, %min3A_246 : vector<16xi32>
    %swap3A_248 = arith.constant 2 : i32
    %swap3A_249 = arith.index_cast %swap3A_248 : i32 to index
    %swap3A_250 = arith.constant 16 : index
    %swap3A_251 = tpu.vector_load %arg6[%swap3A_249, %swap3A_250] {strides = array<i32>} : memref<4x128xi32, #tpu.memory_space<vmem>>, vector<16xi32>,
    tpu.vector_store %arg6[%swap3A_249, %swap3A_250], %min3A_247 {strides = array<i32>} : memref<4x128xi32, #tpu.memory_space<vmem>>, vector<16xi32>,
    %get3A_252 = arith.constant 288 : index
    %get3A_253 = tpu.vector_load %arg5[%get3A_252] {strides = array<i32>} : memref<512xf32, #tpu.memory_space<vmem>>, vector<16xf32>,
    %mul3A_254 = arith.constant 5.000000e-01 : f32
    %mul3A_255 = vector.broadcast %mul3A_254 : f32 to vector<16xf32>
    %mul3A_256 = arith.mulf %get3A_253, %mul3A_255 : vector<16xf32>
    %convert_element_type3A_257 = arith.fptosi %mul3A_256 : vector<16xf32> to vector<16xi32>
    %min3A_258 = arith.constant 1023 : i32
    %min3A_259 = vector.broadcast %min3A_258 : i32 to vector<16xi32>
    %min3A_260 = arith.minsi %convert_element_type3A_257, %min3A_259 : vector<16xi32>
    %swap3A_261 = arith.constant 2 : i32
    %swap3A_262 = arith.index_cast %swap3A_261 : i32 to index
    %swap3A_263 = arith.constant 32 : index
    %swap3A_264 = tpu.vector_load %arg6[%swap3A_262, %swap3A_263] {strides = array<i32>} : memref<4x128xi32, #tpu.memory_space<vmem>>, vector<16xi32>,
    tpu.vector_store %arg6[%swap3A_262, %swap3A_263], %min3A_260 {strides = array<i32>} : memref<4x128xi32, #tpu.memory_space<vmem>>, vector<16xi32>,
    %get3A_265 = arith.constant 304 : index
    %get3A_266 = tpu.vector_load %arg5[%get3A_265] {strides = array<i32>} : memref<512xf32, #tpu.memory_space<vmem>>, vector<16xf32>,
    %mul3A_267 = arith.constant 5.000000e-01 : f32
    %mul3A_268 = vector.broadcast %mul3A_267 : f32 to vector<16xf32>
    %mul3A_269 = arith.mulf %get3A_266, %mul3A_268 : vector<16xf32>
    %convert_element_type3A_270 = arith.fptosi %mul3A_269 : vector<16xf32> to vector<16xi32>
    %min3A_271 = arith.constant 1023 : i32
    %min3A_272 = vector.broadcast %min3A_271 : i32 to vector<16xi32>
    %min3A_273 = arith.minsi %convert_element_type3A_270, %min3A_272 : vector<16xi32>
    %swap3A_274 = arith.constant 2 : i32
    %swap3A_275 = arith.index_cast %swap3A_274 : i32 to index
    %swap3A_276 = arith.constant 48 : index
    %swap3A_277 = tpu.vector_load %arg6[%swap3A_275, %swap3A_276] {strides = array<i32>} : memref<4x128xi32, #tpu.memory_space<vmem>>, vector<16xi32>,
    tpu.vector_store %arg6[%swap3A_275, %swap3A_276], %min3A_273 {strides = array<i32>} : memref<4x128xi32, #tpu.memory_space<vmem>>, vector<16xi32>,
    %get3A_278 = arith.constant 320 : index
    %get3A_279 = tpu.vector_load %arg5[%get3A_278] {strides = array<i32>} : memref<512xf32, #tpu.memory_space<vmem>>, vector<16xf32>,
    %mul3A_280 = arith.constant 5.000000e-01 : f32
    %mul3A_281 = vector.broadcast %mul3A_280 : f32 to vector<16xf32>
    %mul3A_282 = arith.mulf %get3A_279, %mul3A_281 : vector<16xf32>
    %convert_element_type3A_283 = arith.fptosi %mul3A_282 : vector<16xf32> to vector<16xi32>
    %min3A_284 = arith.constant 1023 : i32
    %min3A_285 = vector.broadcast %min3A_284 : i32 to vector<16xi32>
    %min3A_286 = arith.minsi %convert_element_type3A_283, %min3A_285 : vector<16xi32>
    %swap3A_287 = arith.constant 2 : i32
    %swap3A_288 = arith.index_cast %swap3A_287 : i32 to index
    %swap3A_289 = arith.constant 64 : index
    %swap3A_290 = tpu.vector_load %arg6[%swap3A_288, %swap3A_289] {strides = array<i32>} : memref<4x128xi32, #tpu.memory_space<vmem>>, vector<16xi32>,
    tpu.vector_store %arg6[%swap3A_288, %swap3A_289], %min3A_286 {strides = array<i32>} : memref<4x128xi32, #tpu.memory_space<vmem>>, vector<16xi32>,
    %get3A_291 = arith.constant 336 : index
    %get3A_292 = tpu.vector_load %arg5[%get3A_291] {strides = array<i32>} : memref<512xf32, #tpu.memory_space<vmem>>, vector<16xf32>,
    %mul3A_293 = arith.constant 5.000000e-01 : f32
    %mul3A_294 = vector.broadcast %mul3A_293 : f32 to vector<16xf32>
    %mul3A_295 = arith.mulf %get3A_292, %mul3A_294 : vector<16xf32>
    %convert_element_type3A_296 = arith.fptosi %mul3A_295 : vector<16xf32> to vector<16xi32>
    %min3A_297 = arith.constant 1023 : i32
    %min3A_298 = vector.broadcast %min3A_297 : i32 to vector<16xi32>
    %min3A_299 = arith.minsi %convert_element_type3A_296, %min3A_298 : vector<16xi32>
    %swap3A_300 = arith.constant 2 : i32
    %swap3A_301 = arith.index_cast %swap3A_300 : i32 to index
    %swap3A_302 = arith.constant 80 : index
    %swap3A_303 = tpu.vector_load %arg6[%swap3A_301, %swap3A_302] {strides = array<i32>} : memref<4x128xi32, #tpu.memory_space<vmem>>, vector<16xi32>,
    tpu.vector_store %arg6[%swap3A_301, %swap3A_302], %min3A_299 {strides = array<i32>} : memref<4x128xi32, #tpu.memory_space<vmem>>, vector<16xi32>,
    %get3A_304 = arith.constant 352 : index
    %get3A_305 = tpu.vector_load %arg5[%get3A_304] {strides = array<i32>} : memref<512xf32, #tpu.memory_space<vmem>>, vector<16xf32>,
    %mul3A_306 = arith.constant 5.000000e-01 : f32
    %mul3A_307 = vector.broadcast %mul3A_306 : f32 to vector<16xf32>
    %mul3A_308 = arith.mulf %get3A_305, %mul3A_307 : vector<16xf32>
    %convert_element_type3A_309 = arith.fptosi %mul3A_308 : vector<16xf32> to vector<16xi32>
    %min3A_310 = arith.constant 1023 : i32
    %min3A_311 = vector.broadcast %min3A_310 : i32 to vector<16xi32>
    %min3A_312 = arith.minsi %convert_element_type3A_309, %min3A_311 : vector<16xi32>
    %swap3A_313 = arith.constant 2 : i32
    %swap3A_314 = arith.index_cast %swap3A_313 : i32 to index
    %swap3A_315 = arith.constant 96 : index
    %swap3A_316 = tpu.vector_load %arg6[%swap3A_314, %swap3A_315] {strides = array<i32>} : memref<4x128xi32, #tpu.memory_space<vmem>>, vector<16xi32>,
    tpu.vector_store %arg6[%swap3A_314, %swap3A_315], %min3A_312 {strides = array<i32>} : memref<4x128xi32, #tpu.memory_space<vmem>>, vector<16xi32>,
    %get3A_317 = arith.constant 368 : index
    %get3A_318 = tpu.vector_load %arg5[%get3A_317] {strides = array<i32>} : memref<512xf32, #tpu.memory_space<vmem>>, vector<16xf32>,
    %mul3A_319 = arith.constant 5.000000e-01 : f32
    %mul3A_320 = vector.broadcast %mul3A_319 : f32 to vector<16xf32>
    %mul3A_321 = arith.mulf %get3A_318, %mul3A_320 : vector<16xf32>
    %convert_element_type3A_322 = arith.fptosi %mul3A_321 : vector<16xf32> to vector<16xi32>
    %min3A_323 = arith.constant 1023 : i32
    %min3A_324 = vector.broadcast %min3A_323 : i32 to vector<16xi32>
    %min3A_325 = arith.minsi %convert_element_type3A_322, %min3A_324 : vector<16xi32>
    %swap3A_326 = arith.constant 2 : i32
    %swap3A_327 = arith.index_cast %swap3A_326 : i32 to index
    %swap3A_328 = arith.constant 112 : index
    %swap3A_329 = tpu.vector_load %arg6[%swap3A_327, %swap3A_328] {strides = array<i32>} : memref<4x128xi32, #tpu.memory_space<vmem>>, vector<16xi32>,
    tpu.vector_store %arg6[%swap3A_327, %swap3A_328], %min3A_325 {strides = array<i32>} : memref<4x128xi32, #tpu.memory_space<vmem>>, vector<16xi32>,
    %dma_start3A_330 = arith.constant 2 : i32
    %dma_start3A_331 = arith.constant 256 : i32
    %dma_start3A_332 = arith.constant 0 : i32
    %dma_start3A_333 = tpu.memref_slice %arg7[%dma_start3A_331, %dma_start3A_332] : memref<512x64xf32, #tpu.memory_space<vmem>> -> memref<128x64xf32, #tpu.memory_space<vmem>>
    %dma_start3A_334 = arith.constant 0 : i32
    %dma_start3A_335 = tpu.memref_slice %arg6[%dma_start3A_330, %dma_start3A_334] : memref<4x128xi32, #tpu.memory_space<vmem>> -> memref<1x128xi32, #tpu.memory_space<vmem>>
    %dma_start3A_336 = tpu.memref_squeeze %dma_start3A_335 : memref<1x128xi32, #tpu.memory_space<vmem>> -> memref<128xi32, #tpu.memory_space<vmem>>
    %dma_start3A_337 = arith.constant 0 : i32
    %dma_start3A_338 = arith.constant 0 : i32
    %dma_start3A_339 = tpu.memref_slice %arg3[%dma_start3A_337, %dma_start3A_338] : memref<1024x64xf32, #tpu.memory_space<hbm>> -> memref<1024x64xf32, #tpu.memory_space<hbm>>
    tpu.enqueue_indirect_dma source(%dma_start3A_339 : memref<1024x64xf32, #tpu.memory_space<hbm>>) target(%dma_start3A_333 : memref<128x64xf32, #tpu.memory_space<vmem>>) offsets(%dma_start3A_336 : memref<128xi32, #tpu.memory_space<vmem>>) semaphore(%arg9 : memref<!tpu.dma_semaphore, #tpu.memory_space<semaphore_mem>>)
    %get3A_340 = arith.constant 384 : index
    %get3A_341 = tpu.vector_load %arg5[%get3A_340] {strides = array<i32>} : memref<512xf32, #tpu.memory_space<vmem>>, vector<16xf32>,
    %mul3A_342 = arith.constant 5.000000e-01 : f32
    %mul3A_343 = vector.broadcast %mul3A_342 : f32 to vector<16xf32>
    %mul3A_344 = arith.mulf %get3A_341, %mul3A_343 : vector<16xf32>
    %convert_element_type3A_345 = arith.fptosi %mul3A_344 : vector<16xf32> to vector<16xi32>
    %min3A_346 = arith.constant 1023 : i32
    %min3A_347 = vector.broadcast %min3A_346 : i32 to vector<16xi32>
    %min3A_348 = arith.minsi %convert_element_type3A_345, %min3A_347 : vector<16xi32>
    %swap3A_349 = arith.constant 3 : i32
    %swap3A_350 = arith.index_cast %swap3A_349 : i32 to index
    %swap3A_351 = arith.constant 0 : index
    %swap3A_352 = tpu.vector_load %arg6[%swap3A_350, %swap3A_351] {strides = array<i32>} : memref<4x128xi32, #tpu.memory_space<vmem>>, vector<16xi32>,
    tpu.vector_store %arg6[%swap3A_350, %swap3A_351], %min3A_348 {strides = array<i32>} : memref<4x128xi32, #tpu.memory_space<vmem>>, vector<16xi32>,
    %get3A_353 = arith.constant 400 : index
    %get3A_354 = tpu.vector_load %arg5[%get3A_353] {strides = array<i32>} : memref<512xf32, #tpu.memory_space<vmem>>, vector<16xf32>,
    %mul3A_355 = arith.constant 5.000000e-01 : f32
    %mul3A_356 = vector.broadcast %mul3A_355 : f32 to vector<16xf32>
    %mul3A_357 = arith.mulf %get3A_354, %mul3A_356 : vector<16xf32>
    %convert_element_type3A_358 = arith.fptosi %mul3A_357 : vector<16xf32> to vector<16xi32>
    %min3A_359 = arith.constant 1023 : i32
    %min3A_360 = vector.broadcast %min3A_359 : i32 to vector<16xi32>
    %min3A_361 = arith.minsi %convert_element_type3A_358, %min3A_360 : vector<16xi32>
    %swap3A_362 = arith.constant 3 : i32
    %swap3A_363 = arith.index_cast %swap3A_362 : i32 to index
    %swap3A_364 = arith.constant 16 : index
    %swap3A_365 = tpu.vector_load %arg6[%swap3A_363, %swap3A_364] {strides = array<i32>} : memref<4x128xi32, #tpu.memory_space<vmem>>, vector<16xi32>,
    tpu.vector_store %arg6[%swap3A_363, %swap3A_364], %min3A_361 {strides = array<i32>} : memref<4x128xi32, #tpu.memory_space<vmem>>, vector<16xi32>,
    %get3A_366 = arith.constant 416 : index
    %get3A_367 = tpu.vector_load %arg5[%get3A_366] {strides = array<i32>} : memref<512xf32, #tpu.memory_space<vmem>>, vector<16xf32>,
    %mul3A_368 = arith.constant 5.000000e-01 : f32
    %mul3A_369 = vector.broadcast %mul3A_368 : f32 to vector<16xf32>
    %mul3A_370 = arith.mulf %get3A_367, %mul3A_369 : vector<16xf32>
    %convert_element_type3A_371 = arith.fptosi %mul3A_370 : vector<16xf32> to vector<16xi32>
    %min3A_372 = arith.constant 1023 : i32
    %min3A_373 = vector.broadcast %min3A_372 : i32 to vector<16xi32>
    %min3A_374 = arith.minsi %convert_element_type3A_371, %min3A_373 : vector<16xi32>
    %swap3A_375 = arith.constant 3 : i32
    %swap3A_376 = arith.index_cast %swap3A_375 : i32 to index
    %swap3A_377 = arith.constant 32 : index
    %swap3A_378 = tpu.vector_load %arg6[%swap3A_376, %swap3A_377] {strides = array<i32>} : memref<4x128xi32, #tpu.memory_space<vmem>>, vector<16xi32>,
    tpu.vector_store %arg6[%swap3A_376, %swap3A_377], %min3A_374 {strides = array<i32>} : memref<4x128xi32, #tpu.memory_space<vmem>>, vector<16xi32>,
    %get3A_379 = arith.constant 432 : index
    %get3A_380 = tpu.vector_load %arg5[%get3A_379] {strides = array<i32>} : memref<512xf32, #tpu.memory_space<vmem>>, vector<16xf32>,
    %mul3A_381 = arith.constant 5.000000e-01 : f32
    %mul3A_382 = vector.broadcast %mul3A_381 : f32 to vector<16xf32>
    %mul3A_383 = arith.mulf %get3A_380, %mul3A_382 : vector<16xf32>
    %convert_element_type3A_384 = arith.fptosi %mul3A_383 : vector<16xf32> to vector<16xi32>
    %min3A_385 = arith.constant 1023 : i32
    %min3A_386 = vector.broadcast %min3A_385 : i32 to vector<16xi32>
    %min3A_387 = arith.minsi %convert_element_type3A_384, %min3A_386 : vector<16xi32>
    %swap3A_388 = arith.constant 3 : i32
    %swap3A_389 = arith.index_cast %swap3A_388 : i32 to index
    %swap3A_390 = arith.constant 48 : index
    %swap3A_391 = tpu.vector_load %arg6[%swap3A_389, %swap3A_390] {strides = array<i32>} : memref<4x128xi32, #tpu.memory_space<vmem>>, vector<16xi32>,
    tpu.vector_store %arg6[%swap3A_389, %swap3A_390], %min3A_387 {strides = array<i32>} : memref<4x128xi32, #tpu.memory_space<vmem>>, vector<16xi32>,
    %get3A_392 = arith.constant 448 : index
    %get3A_393 = tpu.vector_load %arg5[%get3A_392] {strides = array<i32>} : memref<512xf32, #tpu.memory_space<vmem>>, vector<16xf32>,
    %mul3A_394 = arith.constant 5.000000e-01 : f32
    %mul3A_395 = vector.broadcast %mul3A_394 : f32 to vector<16xf32>
    %mul3A_396 = arith.mulf %get3A_393, %mul3A_395 : vector<16xf32>
    %convert_element_type3A_397 = arith.fptosi %mul3A_396 : vector<16xf32> to vector<16xi32>
    %min3A_398 = arith.constant 1023 : i32
    %min3A_399 = vector.broadcast %min3A_398 : i32 to vector<16xi32>
    %min3A_400 = arith.minsi %convert_element_type3A_397, %min3A_399 : vector<16xi32>
    %swap3A_401 = arith.constant 3 : i32
    %swap3A_402 = arith.index_cast %swap3A_401 : i32 to index
    %swap3A_403 = arith.constant 64 : index
    %swap3A_404 = tpu.vector_load %arg6[%swap3A_402, %swap3A_403] {strides = array<i32>} : memref<4x128xi32, #tpu.memory_space<vmem>>, vector<16xi32>,
    tpu.vector_store %arg6[%swap3A_402, %swap3A_403], %min3A_400 {strides = array<i32>} : memref<4x128xi32, #tpu.memory_space<vmem>>, vector<16xi32>,
    %get3A_405 = arith.constant 464 : index
    %get3A_406 = tpu.vector_load %arg5[%get3A_405] {strides = array<i32>} : memref<512xf32, #tpu.memory_space<vmem>>, vector<16xf32>,
    %mul3A_407 = arith.constant 5.000000e-01 : f32
    %mul3A_408 = vector.broadcast %mul3A_407 : f32 to vector<16xf32>
    %mul3A_409 = arith.mulf %get3A_406, %mul3A_408 : vector<16xf32>
    %convert_element_type3A_410 = arith.fptosi %mul3A_409 : vector<16xf32> to vector<16xi32>
    %min3A_411 = arith.constant 1023 : i32
    %min3A_412 = vector.broadcast %min3A_411 : i32 to vector<16xi32>
    %min3A_413 = arith.minsi %convert_element_type3A_410, %min3A_412 : vector<16xi32>
    %swap3A_414 = arith.constant 3 : i32
    %swap3A_415 = arith.index_cast %swap3A_414 : i32 to index
    %swap3A_416 = arith.constant 80 : index
    %swap3A_417 = tpu.vector_load %arg6[%swap3A_415, %swap3A_416] {strides = array<i32>} : memref<4x128xi32, #tpu.memory_space<vmem>>, vector<16xi32>,
    tpu.vector_store %arg6[%swap3A_415, %swap3A_416], %min3A_413 {strides = array<i32>} : memref<4x128xi32, #tpu.memory_space<vmem>>, vector<16xi32>,
    %get3A_418 = arith.constant 480 : index
    %get3A_419 = tpu.vector_load %arg5[%get3A_418] {strides = array<i32>} : memref<512xf32, #tpu.memory_space<vmem>>, vector<16xf32>,
    %mul3A_420 = arith.constant 5.000000e-01 : f32
    %mul3A_421 = vector.broadcast %mul3A_420 : f32 to vector<16xf32>
    %mul3A_422 = arith.mulf %get3A_419, %mul3A_421 : vector<16xf32>
    %convert_element_type3A_423 = arith.fptosi %mul3A_422 : vector<16xf32> to vector<16xi32>
    %min3A_424 = arith.constant 1023 : i32
    %min3A_425 = vector.broadcast %min3A_424 : i32 to vector<16xi32>
    %min3A_426 = arith.minsi %convert_element_type3A_423, %min3A_425 : vector<16xi32>
    %swap3A_427 = arith.constant 3 : i32
    %swap3A_428 = arith.index_cast %swap3A_427 : i32 to index
    %swap3A_429 = arith.constant 96 : index
    %swap3A_430 = tpu.vector_load %arg6[%swap3A_428, %swap3A_429] {strides = array<i32>} : memref<4x128xi32, #tpu.memory_space<vmem>>, vector<16xi32>,
    tpu.vector_store %arg6[%swap3A_428, %swap3A_429], %min3A_426 {strides = array<i32>} : memref<4x128xi32, #tpu.memory_space<vmem>>, vector<16xi32>,
    %get3A_431 = arith.constant 496 : index
    %get3A_432 = tpu.vector_load %arg5[%get3A_431] {strides = array<i32>} : memref<512xf32, #tpu.memory_space<vmem>>, vector<16xf32>,
    %mul3A_433 = arith.constant 5.000000e-01 : f32
    %mul3A_434 = vector.broadcast %mul3A_433 : f32 to vector<16xf32>
    %mul3A_435 = arith.mulf %get3A_432, %mul3A_434 : vector<16xf32>
    %convert_element_type3A_436 = arith.fptosi %mul3A_435 : vector<16xf32> to vector<16xi32>
    %min3A_437 = arith.constant 1023 : i32
    %min3A_438 = vector.broadcast %min3A_437 : i32 to vector<16xi32>
    %min3A_439 = arith.minsi %convert_element_type3A_436, %min3A_438 : vector<16xi32>
    %swap3A_440 = arith.constant 3 : i32
    %swap3A_441 = arith.index_cast %swap3A_440 : i32 to index
    %swap3A_442 = arith.constant 112 : index
    %swap3A_443 = tpu.vector_load %arg6[%swap3A_441, %swap3A_442] {strides = array<i32>} : memref<4x128xi32, #tpu.memory_space<vmem>>, vector<16xi32>,
    tpu.vector_store %arg6[%swap3A_441, %swap3A_442], %min3A_439 {strides = array<i32>} : memref<4x128xi32, #tpu.memory_space<vmem>>, vector<16xi32>,
    %dma_start3A_444 = arith.constant 3 : i32
    %dma_start3A_445 = arith.constant 384 : i32
    %dma_start3A_446 = arith.constant 0 : i32
    %dma_start3A_447 = tpu.memref_slice %arg7[%dma_start3A_445, %dma_start3A_446] : memref<512x64xf32, #tpu.memory_space<vmem>> -> memref<128x64xf32, #tpu.memory_space<vmem>>
    %dma_start3A_448 = arith.constant 0 : i32
    %dma_start3A_449 = tpu.memref_slice %arg6[%dma_start3A_444, %dma_start3A_448] : memref<4x128xi32, #tpu.memory_space<vmem>> -> memref<1x128xi32, #tpu.memory_space<vmem>>
    %dma_start3A_450 = tpu.memref_squeeze %dma_start3A_449 : memref<1x128xi32, #tpu.memory_space<vmem>> -> memref<128xi32, #tpu.memory_space<vmem>>
    %dma_start3A_451 = arith.constant 0 : i32
    %dma_start3A_452 = arith.constant 0 : i32
    %dma_start3A_453 = tpu.memref_slice %arg3[%dma_start3A_451, %dma_start3A_452] : memref<1024x64xf32, #tpu.memory_space<hbm>> -> memref<1024x64xf32, #tpu.memory_space<hbm>>
    tpu.enqueue_indirect_dma source(%dma_start3A_453 : memref<1024x64xf32, #tpu.memory_space<hbm>>) target(%dma_start3A_447 : memref<128x64xf32, #tpu.memory_space<vmem>>) offsets(%dma_start3A_450 : memref<128xi32, #tpu.memory_space<vmem>>) semaphore(%arg9 : memref<!tpu.dma_semaphore, #tpu.memory_space<semaphore_mem>>)
    %iota3A = tpu.iota {dimensions = array<i32: 0>} : vector<16xi32>
    %jit3A = arith.constant 8 : i32
    %div3A = vector.broadcast %jit3A : i32 to vector<16xi32>
    %div3A_454 = arith.divsi %iota3A, %div3A : vector<16xi32>
    %sign3A = arith.constant 0 : i32
    %sign3A_455 = vector.broadcast %sign3A : i32 to vector<16xi32>
    %sign3A_456 = arith.cmpi sgt, %iota3A, %sign3A_455 : vector<16xi32>
    %sign3A_457 = arith.extui %sign3A_456 : vector<16xi1> to vector<16xi32>
    %sign3A_458 = arith.constant 0 : i32
    %sign3A_459 = vector.broadcast %sign3A_458 : i32 to vector<16xi32>
    %sign3A_460 = arith.cmpi slt, %iota3A, %sign3A_459 : vector<16xi32>
    %sign3A_461 = arith.extui %sign3A_460 : vector<16xi1> to vector<16xi32>
    %sign3A_462 = arith.subi %sign3A_457, %sign3A_461 : vector<16xi32>
    %sign3A_463 = arith.constant 0 : i32
    %sign3A_464 = arith.cmpi sgt, %jit3A, %sign3A_463 : i32
    %sign3A_465 = arith.extui %sign3A_464 : i1 to i32
    %sign3A_466 = arith.constant 0 : i32
    %sign3A_467 = arith.cmpi slt, %jit3A, %sign3A_466 : i32
    %sign3A_468 = arith.extui %sign3A_467 : i1 to i32
    %sign3A_469 = arith.subi %sign3A_465, %sign3A_468 : i32
    %ne3A = vector.broadcast %sign3A_469 : i32 to vector<16xi32>
    %ne3A_470 = arith.cmpi ne, %sign3A_462, %ne3A : vector<16xi32>
    %rem3A = vector.broadcast %jit3A : i32 to vector<16xi32>
    %rem3A_471 = arith.remsi %iota3A, %rem3A : vector<16xi32>
    %ne3A_472 = arith.constant 0 : i32
    %ne3A_473 = vector.broadcast %ne3A_472 : i32 to vector<16xi32>
    %ne3A_474 = arith.cmpi ne, %rem3A_471, %ne3A_473 : vector<16xi32>
    %and3A = arith.andi %ne3A_470, %ne3A_474 : vector<16xi1>
    %sub3A = arith.constant 1 : i32
    %sub3A_475 = vector.broadcast %sub3A : i32 to vector<16xi32>
    %sub3A_476 = arith.subi %div3A_454, %sub3A_475 : vector<16xi32>
    %select_n3A = arith.select %and3A, %sub3A_476, %div3A_454 : vector<16xi1>, vector<16xi32>
    %mul3A_477 = arith.constant 8 : i32
    %mul3A_478 = vector.broadcast %mul3A_477 : i32 to vector<16xi32>
    %mul3A_479 = arith.muli %select_n3A, %mul3A_478 : vector<16xi32>
    %sub3A_480 = arith.subi %iota3A, %mul3A_479 : vector<16xi32>
    %mul3A_481 = arith.constant 4096 : i32
    %mul3A_482 = vector.broadcast %mul3A_481 : i32 to vector<16xi32>
    %mul3A_483 = arith.muli %select_n3A, %mul3A_482 : vector<16xi32>
    %mul3A_484 = arith.constant 128 : i32
    %mul3A_485 = vector.broadcast %mul3A_484 : i32 to vector<16xi32>
    %mul3A_486 = arith.muli %sub3A_480, %mul3A_485 : vector<16xi32>
    %add3A_487 = arith.addi %mul3A_483, %mul3A_486 : vector<16xi32>
    %add3A_488 = arith.constant 0 : i32
    %add3A_489 = vector.broadcast %add3A_488 : i32 to vector<16xi32>
    %add3A_490 = arith.addi %add3A_487, %add3A_489 : vector<16xi32>
    %mul3A_491 = arith.constant 4096 : i32
    %mul3A_492 = vector.broadcast %mul3A_491 : i32 to vector<16xi32>
    %mul3A_493 = arith.muli %select_n3A, %mul3A_492 : vector<16xi32>
    %mul3A_494 = arith.constant 128 : i32
    %mul3A_495 = vector.broadcast %mul3A_494 : i32 to vector<16xi32>
    %mul3A_496 = arith.muli %sub3A_480, %mul3A_495 : vector<16xi32>
    %add3A_497 = arith.addi %mul3A_493, %mul3A_496 : vector<16xi32>
    %add3A_498 = arith.constant 8192 : i32
    %add3A_499 = vector.broadcast %add3A_498 : i32 to vector<16xi32>
    %add3A_500 = arith.addi %add3A_497, %add3A_499 : vector<16xi32>
    %mul3A_501 = arith.constant 4096 : i32
    %mul3A_502 = vector.broadcast %mul3A_501 : i32 to vector<16xi32>
    %mul3A_503 = arith.muli %select_n3A, %mul3A_502 : vector<16xi32>
    %mul3A_504 = arith.constant 128 : i32
    %mul3A_505 = vector.broadcast %mul3A_504 : i32 to vector<16xi32>
    %mul3A_506 = arith.muli %sub3A_480, %mul3A_505 : vector<16xi32>
    %add3A_507 = arith.addi %mul3A_503, %mul3A_506 : vector<16xi32>
    %add3A_508 = arith.constant 16384 : i32
    %add3A_509 = vector.broadcast %add3A_508 : i32 to vector<16xi32>
    %add3A_510 = arith.addi %add3A_507, %add3A_509 : vector<16xi32>
    %mul3A_511 = arith.constant 4096 : i32
    %mul3A_512 = vector.broadcast %mul3A_511 : i32 to vector<16xi32>
    %mul3A_513 = arith.muli %select_n3A, %mul3A_512 : vector<16xi32>
    %mul3A_514 = arith.constant 128 : i32
    %mul3A_515 = vector.broadcast %mul3A_514 : i32 to vector<16xi32>
    %mul3A_516 = arith.muli %sub3A_480, %mul3A_515 : vector<16xi32>
    %add3A_517 = arith.addi %mul3A_513, %mul3A_516 : vector<16xi32>
    %add3A_518 = arith.constant 24576 : i32
    %add3A_519 = vector.broadcast %add3A_518 : i32 to vector<16xi32>
    %add3A_520 = arith.addi %add3A_517, %add3A_519 : vector<16xi32>
    %dma_wait3A = arith.constant 0 : i32
    %dma_wait3A_521 = arith.constant 0 : i32
    %dma_wait3A_522 = arith.constant 0 : i32
    %dma_wait3A_523 = tpu.memref_slice %arg7[%dma_wait3A_521, %dma_wait3A_522] : memref<512x64xf32, #tpu.memory_space<vmem>> -> memref<128x64xf32, #tpu.memory_space<vmem>>
    %dma_wait3A_524 = arith.constant 0 : i32
    %dma_wait3A_525 = tpu.memref_slice %arg6[%dma_wait3A, %dma_wait3A_524] : memref<4x128xi32, #tpu.memory_space<vmem>> -> memref<1x128xi32, #tpu.memory_space<vmem>>
    %dma_wait3A_526 = tpu.memref_squeeze %dma_wait3A_525 : memref<1x128xi32, #tpu.memory_space<vmem>> -> memref<128xi32, #tpu.memory_space<vmem>>
    %dma_wait3A_527 = arith.constant 0 : i32
    %dma_wait3A_528 = arith.constant 0 : i32
    %dma_wait3A_529 = tpu.memref_slice %arg3[%dma_wait3A_527, %dma_wait3A_528] : memref<1024x64xf32, #tpu.memory_space<hbm>> -> memref<1024x64xf32, #tpu.memory_space<hbm>>
    tpu.wait_indirect_dma semaphore(%arg9 : memref<!tpu.dma_semaphore, #tpu.memory_space<semaphore_mem>>) src(%dma_wait3A_529 : memref<1024x64xf32, #tpu.memory_space<hbm>>) dst(%dma_wait3A_523 : memref<128x64xf32, #tpu.memory_space<vmem>>)
    %parallel_loop3A = arith.constant 0 : i32
    %parallel_loop3A_530 = arith.constant 128 : i32
    %parallel_loop3A_531 = arith.constant 1 : i32
    scf.for %parallel_loop3A_699 = %parallel_loop3A to %parallel_loop3A_530 step %parallel_loop3A_531  : i32 {
      %parallel_loop3A_700 = arith.constant 0 : i32
      %parallel_loop3A_701 = arith.addi %parallel_loop3A_700, %parallel_loop3A_699 : i32
      %parallel_loop3A_702 = arith.constant 0 : i32
      %parallel_loop3A_703 = arith.addi %parallel_loop3A_702, %parallel_loop3A_699 : i32
      %parallel_loop3A_704 = arith.index_cast %parallel_loop3A_703 : i32 to index
      %parallel_loop3A_705 = arith.constant 0 : index
      %parallel_loop3A_706 = tpu.vector_load %arg7[%parallel_loop3A_704, %parallel_loop3A_705] {strides = array<i32>} : memref<512x64xf32, #tpu.memory_space<vmem>>, vector<16xf32>,
      %parallel_loop3A_707 = vector.broadcast %parallel_loop3A_701 : i32 to vector<16xi32>
      %parallel_loop3A_708 = arith.addi %add3A_490, %parallel_loop3A_707 : vector<16xi32>
      tpu.vector_store_idx %arg8[%parallel_loop3A_708], %parallel_loop3A_706 : memref<32768xf32, #tpu.memory_space<vmem>>[vector<16xi32>], vector<16xf32>,
      %parallel_loop3A_709 = arith.constant 0 : i32
      %parallel_loop3A_710 = arith.addi %parallel_loop3A_709, %parallel_loop3A_699 : i32
      %parallel_loop3A_711 = arith.index_cast %parallel_loop3A_710 : i32 to index
      %parallel_loop3A_712 = arith.constant 16 : index
      %parallel_loop3A_713 = tpu.vector_load %arg7[%parallel_loop3A_711, %parallel_loop3A_712] {strides = array<i32>} : memref<512x64xf32, #tpu.memory_space<vmem>>, vector<16xf32>,
      %parallel_loop3A_714 = vector.broadcast %parallel_loop3A_701 : i32 to vector<16xi32>
      %parallel_loop3A_715 = arith.addi %add3A_500, %parallel_loop3A_714 : vector<16xi32>
      tpu.vector_store_idx %arg8[%parallel_loop3A_715], %parallel_loop3A_713 : memref<32768xf32, #tpu.memory_space<vmem>>[vector<16xi32>], vector<16xf32>,
      %parallel_loop3A_716 = arith.constant 0 : i32
      %parallel_loop3A_717 = arith.addi %parallel_loop3A_716, %parallel_loop3A_699 : i32
      %parallel_loop3A_718 = arith.index_cast %parallel_loop3A_717 : i32 to index
      %parallel_loop3A_719 = arith.constant 32 : index
      %parallel_loop3A_720 = tpu.vector_load %arg7[%parallel_loop3A_718, %parallel_loop3A_719] {strides = array<i32>} : memref<512x64xf32, #tpu.memory_space<vmem>>, vector<16xf32>,
      %parallel_loop3A_721 = vector.broadcast %parallel_loop3A_701 : i32 to vector<16xi32>
      %parallel_loop3A_722 = arith.addi %add3A_510, %parallel_loop3A_721 : vector<16xi32>
      tpu.vector_store_idx %arg8[%parallel_loop3A_722], %parallel_loop3A_720 : memref<32768xf32, #tpu.memory_space<vmem>>[vector<16xi32>], vector<16xf32>,
      %parallel_loop3A_723 = arith.constant 0 : i32
      %parallel_loop3A_724 = arith.addi %parallel_loop3A_723, %parallel_loop3A_699 : i32
      %parallel_loop3A_725 = arith.index_cast %parallel_loop3A_724 : i32 to index
      %parallel_loop3A_726 = arith.constant 48 : index
      %parallel_loop3A_727 = tpu.vector_load %arg7[%parallel_loop3A_725, %parallel_loop3A_726] {strides = array<i32>} : memref<512x64xf32, #tpu.memory_space<vmem>>, vector<16xf32>,
      %parallel_loop3A_728 = vector.broadcast %parallel_loop3A_701 : i32 to vector<16xi32>
      %parallel_loop3A_729 = arith.addi %add3A_520, %parallel_loop3A_728 : vector<16xi32>
      tpu.vector_store_idx %arg8[%parallel_loop3A_729], %parallel_loop3A_727 : memref<32768xf32, #tpu.memory_space<vmem>>[vector<16xi32>], vector<16xf32>,
    } {sc.loop_unroll_factor = 8 : i64, sc.parallel_access}
    %dma_wait3A_532 = arith.constant 1 : i32
    %dma_wait3A_533 = arith.constant 128 : i32
    %dma_wait3A_534 = arith.constant 0 : i32
    %dma_wait3A_535 = tpu.memref_slice %arg7[%dma_wait3A_533, %dma_wait3A_534] : memref<512x64xf32, #tpu.memory_space<vmem>> -> memref<128x64xf32, #tpu.memory_space<vmem>>
    %dma_wait3A_536 = arith.constant 0 : i32
    %dma_wait3A_537 = tpu.memref_slice %arg6[%dma_wait3A_532, %dma_wait3A_536] : memref<4x128xi32, #tpu.memory_space<vmem>> -> memref<1x128xi32, #tpu.memory_space<vmem>>
    %dma_wait3A_538 = tpu.memref_squeeze %dma_wait3A_537 : memref<1x128xi32, #tpu.memory_space<vmem>> -> memref<128xi32, #tpu.memory_space<vmem>>
    %dma_wait3A_539 = arith.constant 0 : i32
    %dma_wait3A_540 = arith.constant 0 : i32
    %dma_wait3A_541 = tpu.memref_slice %arg3[%dma_wait3A_539, %dma_wait3A_540] : memref<1024x64xf32, #tpu.memory_space<hbm>> -> memref<1024x64xf32, #tpu.memory_space<hbm>>
    tpu.wait_indirect_dma semaphore(%arg9 : memref<!tpu.dma_semaphore, #tpu.memory_space<semaphore_mem>>) src(%dma_wait3A_541 : memref<1024x64xf32, #tpu.memory_space<hbm>>) dst(%dma_wait3A_535 : memref<128x64xf32, #tpu.memory_space<vmem>>)
    %parallel_loop3A_542 = arith.constant 0 : i32
    %parallel_loop3A_543 = arith.constant 128 : i32
    %parallel_loop3A_544 = arith.constant 1 : i32
    scf.for %parallel_loop3A_699 = %parallel_loop3A_542 to %parallel_loop3A_543 step %parallel_loop3A_544  : i32 {
      %parallel_loop3A_700 = arith.constant 1024 : i32
      %parallel_loop3A_701 = arith.addi %parallel_loop3A_700, %parallel_loop3A_699 : i32
      %parallel_loop3A_702 = arith.constant 128 : i32
      %parallel_loop3A_703 = arith.addi %parallel_loop3A_702, %parallel_loop3A_699 : i32
      %parallel_loop3A_704 = arith.index_cast %parallel_loop3A_703 : i32 to index
      %parallel_loop3A_705 = arith.constant 0 : index
      %parallel_loop3A_706 = tpu.vector_load %arg7[%parallel_loop3A_704, %parallel_loop3A_705] {strides = array<i32>} : memref<512x64xf32, #tpu.memory_space<vmem>>, vector<16xf32>,
      %parallel_loop3A_707 = vector.broadcast %parallel_loop3A_701 : i32 to vector<16xi32>
      %parallel_loop3A_708 = arith.addi %add3A_490, %parallel_loop3A_707 : vector<16xi32>
      tpu.vector_store_idx %arg8[%parallel_loop3A_708], %parallel_loop3A_706 : memref<32768xf32, #tpu.memory_space<vmem>>[vector<16xi32>], vector<16xf32>,
      %parallel_loop3A_709 = arith.constant 128 : i32
      %parallel_loop3A_710 = arith.addi %parallel_loop3A_709, %parallel_loop3A_699 : i32
      %parallel_loop3A_711 = arith.index_cast %parallel_loop3A_710 : i32 to index
      %parallel_loop3A_712 = arith.constant 16 : index
      %parallel_loop3A_713 = tpu.vector_load %arg7[%parallel_loop3A_711, %parallel_loop3A_712] {strides = array<i32>} : memref<512x64xf32, #tpu.memory_space<vmem>>, vector<16xf32>,
      %parallel_loop3A_714 = vector.broadcast %parallel_loop3A_701 : i32 to vector<16xi32>
      %parallel_loop3A_715 = arith.addi %add3A_500, %parallel_loop3A_714 : vector<16xi32>
      tpu.vector_store_idx %arg8[%parallel_loop3A_715], %parallel_loop3A_713 : memref<32768xf32, #tpu.memory_space<vmem>>[vector<16xi32>], vector<16xf32>,
      %parallel_loop3A_716 = arith.constant 128 : i32
      %parallel_loop3A_717 = arith.addi %parallel_loop3A_716, %parallel_loop3A_699 : i32
      %parallel_loop3A_718 = arith.index_cast %parallel_loop3A_717 : i32 to index
      %parallel_loop3A_719 = arith.constant 32 : index
      %parallel_loop3A_720 = tpu.vector_load %arg7[%parallel_loop3A_718, %parallel_loop3A_719] {strides = array<i32>} : memref<512x64xf32, #tpu.memory_space<vmem>>, vector<16xf32>,
      %parallel_loop3A_721 = vector.broadcast %parallel_loop3A_701 : i32 to vector<16xi32>
      %parallel_loop3A_722 = arith.addi %add3A_510, %parallel_loop3A_721 : vector<16xi32>
      tpu.vector_store_idx %arg8[%parallel_loop3A_722], %parallel_loop3A_720 : memref<32768xf32, #tpu.memory_space<vmem>>[vector<16xi32>], vector<16xf32>,
      %parallel_loop3A_723 = arith.constant 128 : i32
      %parallel_loop3A_724 = arith.addi %parallel_loop3A_723, %parallel_loop3A_699 : i32
      %parallel_loop3A_725 = arith.index_cast %parallel_loop3A_724 : i32 to index
      %parallel_loop3A_726 = arith.constant 48 : index
      %parallel_loop3A_727 = tpu.vector_load %arg7[%parallel_loop3A_725, %parallel_loop3A_726] {strides = array<i32>} : memref<512x64xf32, #tpu.memory_space<vmem>>, vector<16xf32>,
      %parallel_loop3A_728 = vector.broadcast %parallel_loop3A_701 : i32 to vector<16xi32>
      %parallel_loop3A_729 = arith.addi %add3A_520, %parallel_loop3A_728 : vector<16xi32>
      tpu.vector_store_idx %arg8[%parallel_loop3A_729], %parallel_loop3A_727 : memref<32768xf32, #tpu.memory_space<vmem>>[vector<16xi32>], vector<16xf32>,
    } {sc.loop_unroll_factor = 8 : i64, sc.parallel_access}
    %dma_wait3A_545 = arith.constant 2 : i32
    %dma_wait3A_546 = arith.constant 256 : i32
    %dma_wait3A_547 = arith.constant 0 : i32
    %dma_wait3A_548 = tpu.memref_slice %arg7[%dma_wait3A_546, %dma_wait3A_547] : memref<512x64xf32, #tpu.memory_space<vmem>> -> memref<128x64xf32, #tpu.memory_space<vmem>>
    %dma_wait3A_549 = arith.constant 0 : i32
    %dma_wait3A_550 = tpu.memref_slice %arg6[%dma_wait3A_545, %dma_wait3A_549] : memref<4x128xi32, #tpu.memory_space<vmem>> -> memref<1x128xi32, #tpu.memory_space<vmem>>
    %dma_wait3A_551 = tpu.memref_squeeze %dma_wait3A_550 : memref<1x128xi32, #tpu.memory_space<vmem>> -> memref<128xi32, #tpu.memory_space<vmem>>
    %dma_wait3A_552 = arith.constant 0 : i32
    %dma_wait3A_553 = arith.constant 0 : i32
    %dma_wait3A_554 = tpu.memref_slice %arg3[%dma_wait3A_552, %dma_wait3A_553] : memref<1024x64xf32, #tpu.memory_space<hbm>> -> memref<1024x64xf32, #tpu.memory_space<hbm>>
    tpu.wait_indirect_dma semaphore(%arg9 : memref<!tpu.dma_semaphore, #tpu.memory_space<semaphore_mem>>) src(%dma_wait3A_554 : memref<1024x64xf32, #tpu.memory_space<hbm>>) dst(%dma_wait3A_548 : memref<128x64xf32, #tpu.memory_space<vmem>>)
    %parallel_loop3A_555 = arith.constant 0 : i32
    %parallel_loop3A_556 = arith.constant 128 : i32
    %parallel_loop3A_557 = arith.constant 1 : i32
    scf.for %parallel_loop3A_699 = %parallel_loop3A_555 to %parallel_loop3A_556 step %parallel_loop3A_557  : i32 {
      %parallel_loop3A_700 = arith.constant 2048 : i32
      %parallel_loop3A_701 = arith.addi %parallel_loop3A_700, %parallel_loop3A_699 : i32
      %parallel_loop3A_702 = arith.constant 256 : i32
      %parallel_loop3A_703 = arith.addi %parallel_loop3A_702, %parallel_loop3A_699 : i32
      %parallel_loop3A_704 = arith.index_cast %parallel_loop3A_703 : i32 to index
      %parallel_loop3A_705 = arith.constant 0 : index
      %parallel_loop3A_706 = tpu.vector_load %arg7[%parallel_loop3A_704, %parallel_loop3A_705] {strides = array<i32>} : memref<512x64xf32, #tpu.memory_space<vmem>>, vector<16xf32>,
      %parallel_loop3A_707 = vector.broadcast %parallel_loop3A_701 : i32 to vector<16xi32>
      %parallel_loop3A_708 = arith.addi %add3A_490, %parallel_loop3A_707 : vector<16xi32>
      tpu.vector_store_idx %arg8[%parallel_loop3A_708], %parallel_loop3A_706 : memref<32768xf32, #tpu.memory_space<vmem>>[vector<16xi32>], vector<16xf32>,
      %parallel_loop3A_709 = arith.constant 256 : i32
      %parallel_loop3A_710 = arith.addi %parallel_loop3A_709, %parallel_loop3A_699 : i32
      %parallel_loop3A_711 = arith.index_cast %parallel_loop3A_710 : i32 to index
      %parallel_loop3A_712 = arith.constant 16 : index
      %parallel_loop3A_713 = tpu.vector_load %arg7[%parallel_loop3A_711, %parallel_loop3A_712] {strides = array<i32>} : memref<512x64xf32, #tpu.memory_space<vmem>>, vector<16xf32>,
      %parallel_loop3A_714 = vector.broadcast %parallel_loop3A_701 : i32 to vector<16xi32>
      %parallel_loop3A_715 = arith.addi %add3A_500, %parallel_loop3A_714 : vector<16xi32>
      tpu.vector_store_idx %arg8[%parallel_loop3A_715], %parallel_loop3A_713 : memref<32768xf32, #tpu.memory_space<vmem>>[vector<16xi32>], vector<16xf32>,
      %parallel_loop3A_716 = arith.constant 256 : i32
      %parallel_loop3A_717 = arith.addi %parallel_loop3A_716, %parallel_loop3A_699 : i32
      %parallel_loop3A_718 = arith.index_cast %parallel_loop3A_717 : i32 to index
      %parallel_loop3A_719 = arith.constant 32 : index
      %parallel_loop3A_720 = tpu.vector_load %arg7[%parallel_loop3A_718, %parallel_loop3A_719] {strides = array<i32>} : memref<512x64xf32, #tpu.memory_space<vmem>>, vector<16xf32>,
      %parallel_loop3A_721 = vector.broadcast %parallel_loop3A_701 : i32 to vector<16xi32>
      %parallel_loop3A_722 = arith.addi %add3A_510, %parallel_loop3A_721 : vector<16xi32>
      tpu.vector_store_idx %arg8[%parallel_loop3A_722], %parallel_loop3A_720 : memref<32768xf32, #tpu.memory_space<vmem>>[vector<16xi32>], vector<16xf32>,
      %parallel_loop3A_723 = arith.constant 256 : i32
      %parallel_loop3A_724 = arith.addi %parallel_loop3A_723, %parallel_loop3A_699 : i32
      %parallel_loop3A_725 = arith.index_cast %parallel_loop3A_724 : i32 to index
      %parallel_loop3A_726 = arith.constant 48 : index
      %parallel_loop3A_727 = tpu.vector_load %arg7[%parallel_loop3A_725, %parallel_loop3A_726] {strides = array<i32>} : memref<512x64xf32, #tpu.memory_space<vmem>>, vector<16xf32>,
      %parallel_loop3A_728 = vector.broadcast %parallel_loop3A_701 : i32 to vector<16xi32>
      %parallel_loop3A_729 = arith.addi %add3A_520, %parallel_loop3A_728 : vector<16xi32>
      tpu.vector_store_idx %arg8[%parallel_loop3A_729], %parallel_loop3A_727 : memref<32768xf32, #tpu.memory_space<vmem>>[vector<16xi32>], vector<16xf32>,
    } {sc.loop_unroll_factor = 8 : i64, sc.parallel_access}
    %dma_wait3A_558 = arith.constant 3 : i32
    %dma_wait3A_559 = arith.constant 384 : i32
    %dma_wait3A_560 = arith.constant 0 : i32
    %dma_wait3A_561 = tpu.memref_slice %arg7[%dma_wait3A_559, %dma_wait3A_560] : memref<512x64xf32, #tpu.memory_space<vmem>> -> memref<128x64xf32, #tpu.memory_space<vmem>>
    %dma_wait3A_562 = arith.constant 0 : i32
    %dma_wait3A_563 = tpu.memref_slice %arg6[%dma_wait3A_558, %dma_wait3A_562] : memref<4x128xi32, #tpu.memory_space<vmem>> -> memref<1x128xi32, #tpu.memory_space<vmem>>
    %dma_wait3A_564 = tpu.memref_squeeze %dma_wait3A_563 : memref<1x128xi32, #tpu.memory_space<vmem>> -> memref<128xi32, #tpu.memory_space<vmem>>
    %dma_wait3A_565 = arith.constant 0 : i32
    %dma_wait3A_566 = arith.constant 0 : i32
    %dma_wait3A_567 = tpu.memref_slice %arg3[%dma_wait3A_565, %dma_wait3A_566] : memref<1024x64xf32, #tpu.memory_space<hbm>> -> memref<1024x64xf32, #tpu.memory_space<hbm>>
    tpu.wait_indirect_dma semaphore(%arg9 : memref<!tpu.dma_semaphore, #tpu.memory_space<semaphore_mem>>) src(%dma_wait3A_567 : memref<1024x64xf32, #tpu.memory_space<hbm>>) dst(%dma_wait3A_561 : memref<128x64xf32, #tpu.memory_space<vmem>>)
    %parallel_loop3A_568 = arith.constant 0 : i32
    %parallel_loop3A_569 = arith.constant 128 : i32
    %parallel_loop3A_570 = arith.constant 1 : i32
    scf.for %parallel_loop3A_699 = %parallel_loop3A_568 to %parallel_loop3A_569 step %parallel_loop3A_570  : i32 {
      %parallel_loop3A_700 = arith.constant 3072 : i32
      %parallel_loop3A_701 = arith.addi %parallel_loop3A_700, %parallel_loop3A_699 : i32
      %parallel_loop3A_702 = arith.constant 384 : i32
      %parallel_loop3A_703 = arith.addi %parallel_loop3A_702, %parallel_loop3A_699 : i32
      %parallel_loop3A_704 = arith.index_cast %parallel_loop3A_703 : i32 to index
      %parallel_loop3A_705 = arith.constant 0 : index
      %parallel_loop3A_706 = tpu.vector_load %arg7[%parallel_loop3A_704, %parallel_loop3A_705] {strides = array<i32>} : memref<512x64xf32, #tpu.memory_space<vmem>>, vector<16xf32>,
      %parallel_loop3A_707 = vector.broadcast %parallel_loop3A_701 : i32 to vector<16xi32>
      %parallel_loop3A_708 = arith.addi %add3A_490, %parallel_loop3A_707 : vector<16xi32>
      tpu.vector_store_idx %arg8[%parallel_loop3A_708], %parallel_loop3A_706 : memref<32768xf32, #tpu.memory_space<vmem>>[vector<16xi32>], vector<16xf32>,
      %parallel_loop3A_709 = arith.constant 384 : i32
      %parallel_loop3A_710 = arith.addi %parallel_loop3A_709, %parallel_loop3A_699 : i32
      %parallel_loop3A_711 = arith.index_cast %parallel_loop3A_710 : i32 to index
      %parallel_loop3A_712 = arith.constant 16 : index
      %parallel_loop3A_713 = tpu.vector_load %arg7[%parallel_loop3A_711, %parallel_loop3A_712] {strides = array<i32>} : memref<512x64xf32, #tpu.memory_space<vmem>>, vector<16xf32>,
      %parallel_loop3A_714 = vector.broadcast %parallel_loop3A_701 : i32 to vector<16xi32>
      %parallel_loop3A_715 = arith.addi %add3A_500, %parallel_loop3A_714 : vector<16xi32>
      tpu.vector_store_idx %arg8[%parallel_loop3A_715], %parallel_loop3A_713 : memref<32768xf32, #tpu.memory_space<vmem>>[vector<16xi32>], vector<16xf32>,
      %parallel_loop3A_716 = arith.constant 384 : i32
      %parallel_loop3A_717 = arith.addi %parallel_loop3A_716, %parallel_loop3A_699 : i32
      %parallel_loop3A_718 = arith.index_cast %parallel_loop3A_717 : i32 to index
      %parallel_loop3A_719 = arith.constant 32 : index
      %parallel_loop3A_720 = tpu.vector_load %arg7[%parallel_loop3A_718, %parallel_loop3A_719] {strides = array<i32>} : memref<512x64xf32, #tpu.memory_space<vmem>>, vector<16xf32>,
      %parallel_loop3A_721 = vector.broadcast %parallel_loop3A_701 : i32 to vector<16xi32>
      %parallel_loop3A_722 = arith.addi %add3A_510, %parallel_loop3A_721 : vector<16xi32>
      tpu.vector_store_idx %arg8[%parallel_loop3A_722], %parallel_loop3A_720 : memref<32768xf32, #tpu.memory_space<vmem>>[vector<16xi32>], vector<16xf32>,
      %parallel_loop3A_723 = arith.constant 384 : i32
      %parallel_loop3A_724 = arith.addi %parallel_loop3A_723, %parallel_loop3A_699 : i32
      %parallel_loop3A_725 = arith.index_cast %parallel_loop3A_724 : i32 to index
      %parallel_loop3A_726 = arith.constant 48 : index
      %parallel_loop3A_727 = tpu.vector_load %arg7[%parallel_loop3A_725, %parallel_loop3A_726] {strides = array<i32>} : memref<512x64xf32, #tpu.memory_space<vmem>>, vector<16xf32>,
      %parallel_loop3A_728 = vector.broadcast %parallel_loop3A_701 : i32 to vector<16xi32>
      %parallel_loop3A_729 = arith.addi %add3A_520, %parallel_loop3A_728 : vector<16xi32>
      tpu.vector_store_idx %arg8[%parallel_loop3A_729], %parallel_loop3A_727 : memref<32768xf32, #tpu.memory_space<vmem>>[vector<16xi32>], vector<16xf32>,
    } {sc.loop_unroll_factor = 8 : i64, sc.parallel_access}
    %mul3A_571 = arith.constant 4096 : i32
    %mul3A_572 = arith.muli %add3A, %mul3A_571 : i32
    %add3A_573 = arith.constant 0 : i32
    %add3A_574 = arith.addi %add3A_573, %mul3A_572 : i32
    %dma_start3A_575 = arith.constant 0 : i32
    %dma_start3A_576 = tpu.memref_slice %arg8[%dma_start3A_575] : memref<32768xf32, #tpu.memory_space<vmem>> -> memref<4096xf32, #tpu.memory_space<vmem>>
    %dma_start3A_577 = tpu.memref_slice %arg4[%add3A_574] : memref<1048576xf32, #tpu.memory_space<hbm>> -> memref<4096xf32, #tpu.memory_space<hbm>>
    %dma_start3A_578 = tpu.memref_slice %arg4[%add3A_574] : memref<1048576xf32, #tpu.memory_space<hbm>> -> memref<4096xf32, #tpu.memory_space<hbm>>
    %dma_start3A_579 = arith.constant 0 : i32
    %dma_start3A_580 = tpu.memref_slice %arg8[%dma_start3A_579] : memref<32768xf32, #tpu.memory_space<vmem>> -> memref<4096xf32, #tpu.memory_space<vmem>>
    tpu.enqueue_dma source(%dma_start3A_580 : memref<4096xf32, #tpu.memory_space<vmem>>) target(%dma_start3A_578 : memref<4096xf32, #tpu.memory_space<hbm>>) target_semaphore(%arg10 : memref<!tpu.dma_semaphore, #tpu.memory_space<semaphore_mem>>)
    %mul3A_581 = arith.constant 4096 : i32
    %mul3A_582 = arith.muli %add3A, %mul3A_581 : i32
    %add3A_583 = arith.constant 131072 : i32
    %add3A_584 = arith.addi %add3A_583, %mul3A_582 : i32
    %dma_start3A_585 = arith.constant 4096 : i32
    %dma_start3A_586 = tpu.memref_slice %arg8[%dma_start3A_585] : memref<32768xf32, #tpu.memory_space<vmem>> -> memref<4096xf32, #tpu.memory_space<vmem>>
    %dma_start3A_587 = tpu.memref_slice %arg4[%add3A_584] : memref<1048576xf32, #tpu.memory_space<hbm>> -> memref<4096xf32, #tpu.memory_space<hbm>>
    %dma_start3A_588 = tpu.memref_slice %arg4[%add3A_584] : memref<1048576xf32, #tpu.memory_space<hbm>> -> memref<4096xf32, #tpu.memory_space<hbm>>
    %dma_start3A_589 = arith.constant 4096 : i32
    %dma_start3A_590 = tpu.memref_slice %arg8[%dma_start3A_589] : memref<32768xf32, #tpu.memory_space<vmem>> -> memref<4096xf32, #tpu.memory_space<vmem>>
    tpu.enqueue_dma source(%dma_start3A_590 : memref<4096xf32, #tpu.memory_space<vmem>>) target(%dma_start3A_588 : memref<4096xf32, #tpu.memory_space<hbm>>) target_semaphore(%arg10 : memref<!tpu.dma_semaphore, #tpu.memory_space<semaphore_mem>>)
    %mul3A_591 = arith.constant 4096 : i32
    %mul3A_592 = arith.muli %add3A, %mul3A_591 : i32
    %add3A_593 = arith.constant 262144 : i32
    %add3A_594 = arith.addi %add3A_593, %mul3A_592 : i32
    %dma_start3A_595 = arith.constant 8192 : i32
    %dma_start3A_596 = tpu.memref_slice %arg8[%dma_start3A_595] : memref<32768xf32, #tpu.memory_space<vmem>> -> memref<4096xf32, #tpu.memory_space<vmem>>
    %dma_start3A_597 = tpu.memref_slice %arg4[%add3A_594] : memref<1048576xf32, #tpu.memory_space<hbm>> -> memref<4096xf32, #tpu.memory_space<hbm>>
    %dma_start3A_598 = tpu.memref_slice %arg4[%add3A_594] : memref<1048576xf32, #tpu.memory_space<hbm>> -> memref<4096xf32, #tpu.memory_space<hbm>>
    %dma_start3A_599 = arith.constant 8192 : i32
    %dma_start3A_600 = tpu.memref_slice %arg8[%dma_start3A_599] : memref<32768xf32, #tpu.memory_space<vmem>> -> memref<4096xf32, #tpu.memory_space<vmem>>
    tpu.enqueue_dma source(%dma_start3A_600 : memref<4096xf32, #tpu.memory_space<vmem>>) target(%dma_start3A_598 : memref<4096xf32, #tpu.memory_space<hbm>>) target_semaphore(%arg10 : memref<!tpu.dma_semaphore, #tpu.memory_space<semaphore_mem>>)
    %mul3A_601 = arith.constant 4096 : i32
    %mul3A_602 = arith.muli %add3A, %mul3A_601 : i32
    %add3A_603 = arith.constant 393216 : i32
    %add3A_604 = arith.addi %add3A_603, %mul3A_602 : i32
    %dma_start3A_605 = arith.constant 12288 : i32
    %dma_start3A_606 = tpu.memref_slice %arg8[%dma_start3A_605] : memref<32768xf32, #tpu.memory_space<vmem>> -> memref<4096xf32, #tpu.memory_space<vmem>>
    %dma_start3A_607 = tpu.memref_slice %arg4[%add3A_604] : memref<1048576xf32, #tpu.memory_space<hbm>> -> memref<4096xf32, #tpu.memory_space<hbm>>
    %dma_start3A_608 = tpu.memref_slice %arg4[%add3A_604] : memref<1048576xf32, #tpu.memory_space<hbm>> -> memref<4096xf32, #tpu.memory_space<hbm>>
    %dma_start3A_609 = arith.constant 12288 : i32
    %dma_start3A_610 = tpu.memref_slice %arg8[%dma_start3A_609] : memref<32768xf32, #tpu.memory_space<vmem>> -> memref<4096xf32, #tpu.memory_space<vmem>>
    tpu.enqueue_dma source(%dma_start3A_610 : memref<4096xf32, #tpu.memory_space<vmem>>) target(%dma_start3A_608 : memref<4096xf32, #tpu.memory_space<hbm>>) target_semaphore(%arg10 : memref<!tpu.dma_semaphore, #tpu.memory_space<semaphore_mem>>)
    %mul3A_611 = arith.constant 4096 : i32
    %mul3A_612 = arith.muli %add3A, %mul3A_611 : i32
    %add3A_613 = arith.constant 524288 : i32
    %add3A_614 = arith.addi %add3A_613, %mul3A_612 : i32
    %dma_start3A_615 = arith.constant 16384 : i32
    %dma_start3A_616 = tpu.memref_slice %arg8[%dma_start3A_615] : memref<32768xf32, #tpu.memory_space<vmem>> -> memref<4096xf32, #tpu.memory_space<vmem>>
    %dma_start3A_617 = tpu.memref_slice %arg4[%add3A_614] : memref<1048576xf32, #tpu.memory_space<hbm>> -> memref<4096xf32, #tpu.memory_space<hbm>>
    %dma_start3A_618 = tpu.memref_slice %arg4[%add3A_614] : memref<1048576xf32, #tpu.memory_space<hbm>> -> memref<4096xf32, #tpu.memory_space<hbm>>
    %dma_start3A_619 = arith.constant 16384 : i32
    %dma_start3A_620 = tpu.memref_slice %arg8[%dma_start3A_619] : memref<32768xf32, #tpu.memory_space<vmem>> -> memref<4096xf32, #tpu.memory_space<vmem>>
    tpu.enqueue_dma source(%dma_start3A_620 : memref<4096xf32, #tpu.memory_space<vmem>>) target(%dma_start3A_618 : memref<4096xf32, #tpu.memory_space<hbm>>) target_semaphore(%arg10 : memref<!tpu.dma_semaphore, #tpu.memory_space<semaphore_mem>>)
    %mul3A_621 = arith.constant 4096 : i32
    %mul3A_622 = arith.muli %add3A, %mul3A_621 : i32
    %add3A_623 = arith.constant 655360 : i32
    %add3A_624 = arith.addi %add3A_623, %mul3A_622 : i32
    %dma_start3A_625 = arith.constant 20480 : i32
    %dma_start3A_626 = tpu.memref_slice %arg8[%dma_start3A_625] : memref<32768xf32, #tpu.memory_space<vmem>> -> memref<4096xf32, #tpu.memory_space<vmem>>
    %dma_start3A_627 = tpu.memref_slice %arg4[%add3A_624] : memref<1048576xf32, #tpu.memory_space<hbm>> -> memref<4096xf32, #tpu.memory_space<hbm>>
    %dma_start3A_628 = tpu.memref_slice %arg4[%add3A_624] : memref<1048576xf32, #tpu.memory_space<hbm>> -> memref<4096xf32, #tpu.memory_space<hbm>>
    %dma_start3A_629 = arith.constant 20480 : i32
    %dma_start3A_630 = tpu.memref_slice %arg8[%dma_start3A_629] : memref<32768xf32, #tpu.memory_space<vmem>> -> memref<4096xf32, #tpu.memory_space<vmem>>
    tpu.enqueue_dma source(%dma_start3A_630 : memref<4096xf32, #tpu.memory_space<vmem>>) target(%dma_start3A_628 : memref<4096xf32, #tpu.memory_space<hbm>>) target_semaphore(%arg10 : memref<!tpu.dma_semaphore, #tpu.memory_space<semaphore_mem>>)
    %mul3A_631 = arith.constant 4096 : i32
    %mul3A_632 = arith.muli %add3A, %mul3A_631 : i32
    %add3A_633 = arith.constant 786432 : i32
    %add3A_634 = arith.addi %add3A_633, %mul3A_632 : i32
    %dma_start3A_635 = arith.constant 24576 : i32
    %dma_start3A_636 = tpu.memref_slice %arg8[%dma_start3A_635] : memref<32768xf32, #tpu.memory_space<vmem>> -> memref<4096xf32, #tpu.memory_space<vmem>>
    %dma_start3A_637 = tpu.memref_slice %arg4[%add3A_634] : memref<1048576xf32, #tpu.memory_space<hbm>> -> memref<4096xf32, #tpu.memory_space<hbm>>
    %dma_start3A_638 = tpu.memref_slice %arg4[%add3A_634] : memref<1048576xf32, #tpu.memory_space<hbm>> -> memref<4096xf32, #tpu.memory_space<hbm>>
    %dma_start3A_639 = arith.constant 24576 : i32
    %dma_start3A_640 = tpu.memref_slice %arg8[%dma_start3A_639] : memref<32768xf32, #tpu.memory_space<vmem>> -> memref<4096xf32, #tpu.memory_space<vmem>>
    tpu.enqueue_dma source(%dma_start3A_640 : memref<4096xf32, #tpu.memory_space<vmem>>) target(%dma_start3A_638 : memref<4096xf32, #tpu.memory_space<hbm>>) target_semaphore(%arg10 : memref<!tpu.dma_semaphore, #tpu.memory_space<semaphore_mem>>)
    %mul3A_641 = arith.constant 4096 : i32
    %mul3A_642 = arith.muli %add3A, %mul3A_641 : i32
    %add3A_643 = arith.constant 917504 : i32
    %add3A_644 = arith.addi %add3A_643, %mul3A_642 : i32
    %dma_start3A_645 = arith.constant 28672 : i32
    %dma_start3A_646 = tpu.memref_slice %arg8[%dma_start3A_645] : memref<32768xf32, #tpu.memory_space<vmem>> -> memref<4096xf32, #tpu.memory_space<vmem>>
    %dma_start3A_647 = tpu.memref_slice %arg4[%add3A_644] : memref<1048576xf32, #tpu.memory_space<hbm>> -> memref<4096xf32, #tpu.memory_space<hbm>>
    %dma_start3A_648 = tpu.memref_slice %arg4[%add3A_644] : memref<1048576xf32, #tpu.memory_space<hbm>> -> memref<4096xf32, #tpu.memory_space<hbm>>
    %dma_start3A_649 = arith.constant 28672 : i32
    %dma_start3A_650 = tpu.memref_slice %arg8[%dma_start3A_649] : memref<32768xf32, #tpu.memory_space<vmem>> -> memref<4096xf32, #tpu.memory_space<vmem>>
    tpu.enqueue_dma source(%dma_start3A_650 : memref<4096xf32, #tpu.memory_space<vmem>>) target(%dma_start3A_648 : memref<4096xf32, #tpu.memory_space<hbm>>) target_semaphore(%arg10 : memref<!tpu.dma_semaphore, #tpu.memory_space<semaphore_mem>>)
    %dma_wait3A_651 = arith.constant 0 : i32
    %dma_wait3A_652 = tpu.memref_slice %arg8[%dma_wait3A_651] : memref<32768xf32, #tpu.memory_space<vmem>> -> memref<4096xf32, #tpu.memory_space<vmem>>
    %dma_wait3A_653 = tpu.memref_slice %arg4[%add3A_574] : memref<1048576xf32, #tpu.memory_space<hbm>> -> memref<4096xf32, #tpu.memory_space<hbm>>
    %dma_wait3A_654 = tpu.memref_slice %arg4[%add3A_574] : memref<1048576xf32, #tpu.memory_space<hbm>> -> memref<4096xf32, #tpu.memory_space<hbm>>
    %dma_wait3A_655 = arith.constant 0 : i32
    %dma_wait3A_656 = tpu.memref_slice %arg8[%dma_wait3A_655] : memref<32768xf32, #tpu.memory_space<vmem>> -> memref<4096xf32, #tpu.memory_space<vmem>>
    tpu.wait_dma2 semaphore(%arg10 : memref<!tpu.dma_semaphore, #tpu.memory_space<semaphore_mem>>) src(%dma_wait3A_656 : memref<4096xf32, #tpu.memory_space<vmem>>) dst(%dma_wait3A_654 : memref<4096xf32, #tpu.memory_space<hbm>>)
    %dma_wait3A_657 = arith.constant 4096 : i32
    %dma_wait3A_658 = tpu.memref_slice %arg8[%dma_wait3A_657] : memref<32768xf32, #tpu.memory_space<vmem>> -> memref<4096xf32, #tpu.memory_space<vmem>>
    %dma_wait3A_659 = tpu.memref_slice %arg4[%add3A_584] : memref<1048576xf32, #tpu.memory_space<hbm>> -> memref<4096xf32, #tpu.memory_space<hbm>>
    %dma_wait3A_660 = tpu.memref_slice %arg4[%add3A_584] : memref<1048576xf32, #tpu.memory_space<hbm>> -> memref<4096xf32, #tpu.memory_space<hbm>>
    %dma_wait3A_661 = arith.constant 4096 : i32
    %dma_wait3A_662 = tpu.memref_slice %arg8[%dma_wait3A_661] : memref<32768xf32, #tpu.memory_space<vmem>> -> memref<4096xf32, #tpu.memory_space<vmem>>
    tpu.wait_dma2 semaphore(%arg10 : memref<!tpu.dma_semaphore, #tpu.memory_space<semaphore_mem>>) src(%dma_wait3A_662 : memref<4096xf32, #tpu.memory_space<vmem>>) dst(%dma_wait3A_660 : memref<4096xf32, #tpu.memory_space<hbm>>)
    %dma_wait3A_663 = arith.constant 8192 : i32
    %dma_wait3A_664 = tpu.memref_slice %arg8[%dma_wait3A_663] : memref<32768xf32, #tpu.memory_space<vmem>> -> memref<4096xf32, #tpu.memory_space<vmem>>
    %dma_wait3A_665 = tpu.memref_slice %arg4[%add3A_594] : memref<1048576xf32, #tpu.memory_space<hbm>> -> memref<4096xf32, #tpu.memory_space<hbm>>
    %dma_wait3A_666 = tpu.memref_slice %arg4[%add3A_594] : memref<1048576xf32, #tpu.memory_space<hbm>> -> memref<4096xf32, #tpu.memory_space<hbm>>
    %dma_wait3A_667 = arith.constant 8192 : i32
    %dma_wait3A_668 = tpu.memref_slice %arg8[%dma_wait3A_667] : memref<32768xf32, #tpu.memory_space<vmem>> -> memref<4096xf32, #tpu.memory_space<vmem>>
    tpu.wait_dma2 semaphore(%arg10 : memref<!tpu.dma_semaphore, #tpu.memory_space<semaphore_mem>>) src(%dma_wait3A_668 : memref<4096xf32, #tpu.memory_space<vmem>>) dst(%dma_wait3A_666 : memref<4096xf32, #tpu.memory_space<hbm>>)
    %dma_wait3A_669 = arith.constant 12288 : i32
    %dma_wait3A_670 = tpu.memref_slice %arg8[%dma_wait3A_669] : memref<32768xf32, #tpu.memory_space<vmem>> -> memref<4096xf32, #tpu.memory_space<vmem>>
    %dma_wait3A_671 = tpu.memref_slice %arg4[%add3A_604] : memref<1048576xf32, #tpu.memory_space<hbm>> -> memref<4096xf32, #tpu.memory_space<hbm>>
    %dma_wait3A_672 = tpu.memref_slice %arg4[%add3A_604] : memref<1048576xf32, #tpu.memory_space<hbm>> -> memref<4096xf32, #tpu.memory_space<hbm>>
    %dma_wait3A_673 = arith.constant 12288 : i32
    %dma_wait3A_674 = tpu.memref_slice %arg8[%dma_wait3A_673] : memref<32768xf32, #tpu.memory_space<vmem>> -> memref<4096xf32, #tpu.memory_space<vmem>>
    tpu.wait_dma2 semaphore(%arg10 : memref<!tpu.dma_semaphore, #tpu.memory_space<semaphore_mem>>) src(%dma_wait3A_674 : memref<4096xf32, #tpu.memory_space<vmem>>) dst(%dma_wait3A_672 : memref<4096xf32, #tpu.memory_space<hbm>>)
    %dma_wait3A_675 = arith.constant 16384 : i32
    %dma_wait3A_676 = tpu.memref_slice %arg8[%dma_wait3A_675] : memref<32768xf32, #tpu.memory_space<vmem>> -> memref<4096xf32, #tpu.memory_space<vmem>>
    %dma_wait3A_677 = tpu.memref_slice %arg4[%add3A_614] : memref<1048576xf32, #tpu.memory_space<hbm>> -> memref<4096xf32, #tpu.memory_space<hbm>>
    %dma_wait3A_678 = tpu.memref_slice %arg4[%add3A_614] : memref<1048576xf32, #tpu.memory_space<hbm>> -> memref<4096xf32, #tpu.memory_space<hbm>>
    %dma_wait3A_679 = arith.constant 16384 : i32
    %dma_wait3A_680 = tpu.memref_slice %arg8[%dma_wait3A_679] : memref<32768xf32, #tpu.memory_space<vmem>> -> memref<4096xf32, #tpu.memory_space<vmem>>
    tpu.wait_dma2 semaphore(%arg10 : memref<!tpu.dma_semaphore, #tpu.memory_space<semaphore_mem>>) src(%dma_wait3A_680 : memref<4096xf32, #tpu.memory_space<vmem>>) dst(%dma_wait3A_678 : memref<4096xf32, #tpu.memory_space<hbm>>)
    %dma_wait3A_681 = arith.constant 20480 : i32
    %dma_wait3A_682 = tpu.memref_slice %arg8[%dma_wait3A_681] : memref<32768xf32, #tpu.memory_space<vmem>> -> memref<4096xf32, #tpu.memory_space<vmem>>
    %dma_wait3A_683 = tpu.memref_slice %arg4[%add3A_624] : memref<1048576xf32, #tpu.memory_space<hbm>> -> memref<4096xf32, #tpu.memory_space<hbm>>
    %dma_wait3A_684 = tpu.memref_slice %arg4[%add3A_624] : memref<1048576xf32, #tpu.memory_space<hbm>> -> memref<4096xf32, #tpu.memory_space<hbm>>
    %dma_wait3A_685 = arith.constant 20480 : i32
    %dma_wait3A_686 = tpu.memref_slice %arg8[%dma_wait3A_685] : memref<32768xf32, #tpu.memory_space<vmem>> -> memref<4096xf32, #tpu.memory_space<vmem>>
    tpu.wait_dma2 semaphore(%arg10 : memref<!tpu.dma_semaphore, #tpu.memory_space<semaphore_mem>>) src(%dma_wait3A_686 : memref<4096xf32, #tpu.memory_space<vmem>>) dst(%dma_wait3A_684 : memref<4096xf32, #tpu.memory_space<hbm>>)
    %dma_wait3A_687 = arith.constant 24576 : i32
    %dma_wait3A_688 = tpu.memref_slice %arg8[%dma_wait3A_687] : memref<32768xf32, #tpu.memory_space<vmem>> -> memref<4096xf32, #tpu.memory_space<vmem>>
    %dma_wait3A_689 = tpu.memref_slice %arg4[%add3A_634] : memref<1048576xf32, #tpu.memory_space<hbm>> -> memref<4096xf32, #tpu.memory_space<hbm>>
    %dma_wait3A_690 = tpu.memref_slice %arg4[%add3A_634] : memref<1048576xf32, #tpu.memory_space<hbm>> -> memref<4096xf32, #tpu.memory_space<hbm>>
    %dma_wait3A_691 = arith.constant 24576 : i32
    %dma_wait3A_692 = tpu.memref_slice %arg8[%dma_wait3A_691] : memref<32768xf32, #tpu.memory_space<vmem>> -> memref<4096xf32, #tpu.memory_space<vmem>>
    tpu.wait_dma2 semaphore(%arg10 : memref<!tpu.dma_semaphore, #tpu.memory_space<semaphore_mem>>) src(%dma_wait3A_692 : memref<4096xf32, #tpu.memory_space<vmem>>) dst(%dma_wait3A_690 : memref<4096xf32, #tpu.memory_space<hbm>>)
    %dma_wait3A_693 = arith.constant 28672 : i32
    %dma_wait3A_694 = tpu.memref_slice %arg8[%dma_wait3A_693] : memref<32768xf32, #tpu.memory_space<vmem>> -> memref<4096xf32, #tpu.memory_space<vmem>>
    %dma_wait3A_695 = tpu.memref_slice %arg4[%add3A_644] : memref<1048576xf32, #tpu.memory_space<hbm>> -> memref<4096xf32, #tpu.memory_space<hbm>>
    %dma_wait3A_696 = tpu.memref_slice %arg4[%add3A_644] : memref<1048576xf32, #tpu.memory_space<hbm>> -> memref<4096xf32, #tpu.memory_space<hbm>>
    %dma_wait3A_697 = arith.constant 28672 : i32
    %dma_wait3A_698 = tpu.memref_slice %arg8[%dma_wait3A_697] : memref<32768xf32, #tpu.memory_space<vmem>> -> memref<4096xf32, #tpu.memory_space<vmem>>
    tpu.wait_dma2 semaphore(%arg10 : memref<!tpu.dma_semaphore, #tpu.memory_space<semaphore_mem>>) src(%dma_wait3A_698 : memref<4096xf32, #tpu.memory_space<vmem>>) dst(%dma_wait3A_696 : memref<4096xf32, #tpu.memory_space<hbm>>)
    return
  }
}

</mosaic_0001>

<sc_bundles>
// kernel: kernel.3.cloned.1.call-start
scs
__scs_entry_jumppad:
0x0: {  	(pc) =	sbr.rel $0x88, $3  }
0x1: {  	(tag) =	ssettag $0x0;
	lr =	simm.s32 $0x1  }
0x2: {  	[smem:$0x3F9F] =	sst lr;
	_ =	strace $0xD0000000  }
0x3: {  	_ = 	snop  }
0x4: {  	_ = 	snop  }
0x5: {  	_ = 	snop  }
0x6: {  	_ = 	snop  }
0x7: {  	_ = 	snop  }
__scs_overlays_trampoline_lowered:
0x8: {  	[smem:$0x3FAE] =	sst s0  }
0x9: {  	[smem:$0x3FAF] =	sst s1  }
0xa: {  	[smem:$0x3FB0] =	sst s2  }
0xb: {  	[smem:$0x3FB1] =	sst s3  }
0xc: {  	[smem:$0x3FB2] =	sst s4  }
0xd: {  	[smem:$0x3FB3] =	sst s5  }
0xe: {  	[smem:$0x3FB4] =	sst s6  }
0xf: {  	[smem:$0x3FB5] =	sst s7  }
0x10: {  	[smem:$0x3FB6] =	sst s8  }
0x11: {  	[smem:$0x3FB7] =	sst s9;
	s0 =	simm.s32 @!p0 $0x0  }
0x12: {  	s1 =	sld [smem:$0x3F9D];
	s0 =	simm.s32 @p0 $0x1  }
0x13: {  	[smem:$0x3FB8] =	sst s0;
	s0 =	simm.s32 @!p1 $0x0  }
0x14: {  	s2 =	sld [smem:$0x3F9C];
	s0 =	simm.s32 @p1 $0x1  }
0x15: {  	[smem:$0x3FB9] =	sst s0;
	s0 =	simm.s32 @!p2 $0x0  }
0x16: {  	s3 =	sld [smem:$0x3FDB];
	s0 =	simm.s32 @p2 $0x1  }
0x17: {  	s4 =	simm.s32 $0x1BF5;
	[smem:$0x3FBB] =	sst s0  }
0x18: {  	s0 =	sld [smem:$0x3F9E];
	_ =	swait.ge [sflag:s4], $0x0  }
0x19: {  	s7 =	sld [smem:$0x3F9F]  }
0x1a: {  	s8 =	sadd.s32 $0xFFFFE003, lr  }
0x1b: {  	s9 =	sadd.s32 $0xFFFFFEF7, lr;
	s5 =	simm.s32 $0xFFFFFFFF;
	p2 =	slt.u32 s8, $0xFFFFF086  }
0x1c: {  	p1 =	slt.u32 s9, $0xF7A;
	s5 =	simm.s32 @!p2 $0x0  }
0x1d: {  	s5 =	simm.s32 @p1 $0x1;
	p0 =	seq.s32 s7, s2  }
0x1e: {  	s7 =	smul.u32 @!p0 $0xF7A, s2;
	p2 =	seq.s32 @!p0 s5, $0x0  }
0x1f: {  	s9 =	smul.u32 $0xF7A, s1;
	s8 =	simm.s32 @!p0 $0x1BF5;
	p2 =	por !p2, p0  }
0x20: {  	[sflag:s8] =	ssyncset.s32 @!p0 $0xFFFFF086;
	s6 =	sadd.s32 @!p0 s3, s7;
	s7 =	simm.s32 @!p0 $0x108  }
0x21: {  	s3 =	sadd.s32 s3, s9;
	s6 =	sadd.s32 @!p0 $0x88, s6;
	s7 =	simm.s32 @p2 $0x1082  }
0x22: {  	[simem:s7], [sflag:s8] =	dma.local @!p0 [hbm:s6], $0xF7A  }
0x23: {  	s9 =	sor.u32 $0xD0000000, s2;
	s6 =	simm.s32 $0x108;
	_ =	swait.ge @!p0 [sflag:s8], $0x0  }
0x24: {  	s3 =	sadd.s32 $0x88, s3;
	s6 =	simm.s32 @!p1 $0x1082;
	[sflag:s4] =	ssyncset.s32 $0xFFFFF086  }
0x25: {  	[simem:s6], [sflag:s4] =	dma.local [hbm:s3], $0xF7A  }
0x26: {  	[smem:$0x3F9F] =	sst s1;
	(tag) =	ssettag s2;
	_ =	strace s9  }
0x27: {  	s1 =	sld [smem:$0x3FAF]  }
0x28: {  	s2 =	sld [smem:$0x3FB0]  }
0x29: {  	s4 =	sld [smem:$0x3FB2]  }
0x2a: {  	p0 =	seq.s32 s5, $0x0;
	s5 =	sld [smem:$0x3FB3]  }
0x2b: {  	s6 =	sld [smem:$0x3FB4]  }
0x2c: {  	s7 =	sld [smem:$0x3FB5]  }
0x2d: {  	s3 =	simm.s32 $0x108;
	s8 =	sld [smem:$0x3FB6]  }
0x2e: {  	s3 =	simm.s32 @!p0 $0x1082;
	s9 =	sld [smem:$0x3FB7]  }
0x2f: {  	lr =	sadd.s32 s0, s3;
	s0 =	sld [smem:$0x3FAE]  }
0x30: {  	s3 =	sld [smem:$0x3FB1]  }
0x31: {  	[smem:$0x3FBA] =	sst s10  }
0x32: {  	s10 =	sld [smem:$0x3FB8];
	_ =	sdelay $0x3  }
0x33: {  	p0 =	seq.s32 s10, $0x1;
	s10 =	sld [smem:$0x3FBA];
	_ =	sdelay $0x3  }
0x34: {  	[smem:$0x3FBA] =	sst s10  }
0x35: {  	s10 =	sld [smem:$0x3FB9];
	_ =	sdelay $0x3  }
0x36: {  	p1 =	seq.s32 s10, $0x1;
	s10 =	sld [smem:$0x3FBA];
	_ =	sdelay $0x3  }
0x37: {  	[smem:$0x3FBA] =	sst s10  }
0x38: {  	s10 =	sld [smem:$0x3FBB]  }
0x39: {  	_ = 	snop;
	(pc) =	sbr.ind lr, $3  }
0x3a: {  	_ = 	snop  }
0x3b: {  	_ = 	snop  }
0x3c: {  	p2 =	seq.s32 s10, $0x1;
	s10 =	sld [smem:$0x3FBA]  }
0x3d: {  	_ =	shalt  }
0x3e: {  	_ =	shalt  }
0x3f: {  	_ =	shalt  }
0x40: {  	_ =	shalt  }
0x41: {  	_ =	shalt  }
0x42: {  	_ =	shalt  }
0x43: {  	_ =	shalt  }
0x44: {  	_ =	shalt  }
0x45: {  	_ =	shalt  }
0x46: {  	_ =	shalt  }
0x47: {  	_ =	shalt  }
0x48: {  	_ =	shalt  }
0x49: {  	_ =	shalt  }
0x4a: {  	_ =	shalt  }
0x4b: {  	_ =	shalt  }
0x4c: {  	_ =	shalt  }
0x4d: {  	_ =	shalt  }
0x4e: {  	_ =	shalt  }
0x4f: {  	_ =	shalt  }
0x50: {  	_ =	shalt  }
0x51: {  	_ =	shalt  }
0x52: {  	_ =	shalt  }
0x53: {  	_ =	shalt  }
0x54: {  	_ =	shalt  }
0x55: {  	_ =	shalt  }
0x56: {  	_ =	shalt  }
0x57: {  	_ =	shalt  }
0x58: {  	_ =	shalt  }
0x59: {  	_ =	shalt  }
0x5a: {  	_ =	shalt  }
0x5b: {  	_ =	shalt  }
0x5c: {  	_ =	shalt  }
0x5d: {  	_ =	shalt  }
0x5e: {  	_ =	shalt  }
0x5f: {  	_ =	shalt  }
0x60: {  	_ =	shalt  }
0x61: {  	_ =	shalt  }
0x62: {  	_ =	shalt  }
0x63: {  	_ =	shalt  }
0x64: {  	_ =	shalt  }
0x65: {  	_ =	shalt  }
0x66: {  	_ =	shalt  }
0x67: {  	_ =	shalt  }
0x68: {  	_ =	shalt  }
0x69: {  	_ =	shalt  }
0x6a: {  	_ =	shalt  }
0x6b: {  	_ =	shalt  }
0x6c: {  	_ =	shalt  }
0x6d: {  	_ =	shalt  }
0x6e: {  	_ =	shalt  }
0x6f: {  	_ =	shalt  }
0x70: {  	_ =	shalt  }
0x71: {  	_ =	shalt  }
0x72: {  	_ =	shalt  }
0x73: {  	_ =	shalt  }
0x74: {  	_ =	shalt  }
0x75: {  	_ =	shalt  }
0x76: {  	_ =	shalt  }
0x77: {  	_ =	shalt  }
0x78: {  	_ =	shalt  }
0x79: {  	_ =	shalt  }
0x7a: {  	_ =	shalt  }
0x7b: {  	_ =	shalt  }
0x7c: {  	_ =	shalt  }
0x7d: {  	_ =	shalt  }
0x7e: {  	_ =	shalt  }
0x7f: {  	_ =	shalt  }
0x80: {  	_ =	shalt  }
0x81: {  	_ =	shalt  }
0x82: {  	_ =	shalt  }
0x83: {  	_ =	shalt  }
0x84: {  	_ =	shalt  }
0x85: {  	_ =	shalt  }
0x86: {  	_ =	shalt  }
0x87: {  	_ =	shalt  }
.Lfunc_end0:
.L_simem_size_0:
called_computation_lowered:
.L_overlay_start_0:
0x88: {  	s2 =	sld [smem:$0x3FD9]  }
0x89: {  	s3 =	sld [smem:$0x3FFE];
	_ =	sdelay $0x1  }
0x8a: {  	s1 =	srdreg.scid  }
0x8b: {  	s0 =	sand.u32 $0x1, s1  }
0x8c: {  	s17 =	sshll.u32 s0, $0xA;
	s2 =	sadd.s32 s3, s2  }
0x8d: {  	s2 =	sadd.s32 s2, s17  }
0x8e: {  	[smem:$0x3FC6] =	sst s2  }
0x8f: {  	_ = 	snop  }
0x90: {  	s2 =	sld [smem:$0x3FC9]  }
0x91: {  	s18 =	sld [smem:$0x3FD0];
	(tm) =	ssettm $0x1  }
0x92: {  	s4 =	sld [smem:$0x3FFB];
	_ =	sdelay $0x3  }
0x93: {  	_ =	strace s4  }
0x94: {  	s4 =	sld [smem:$0x3FFC];
	_ =	sdelay $0x3  }
0x95: {  	_ =	strace s4  }
0x96: {  	s4 =	sld [smem:$0x3FFD];
	_ =	sdelay $0x3  }
0x97: {  	_ =	strace s4  }
0x98: {  	_ =	strace $0x8FFFFFFF  }
0x99: {  	s19 =	sld [smem:$0x3FDB];
	_ =	sdelay $0x1  }
0x9a: {  	s5 =	simm.s32 $_scs_section_size  }
0x9b: {  	s6 =	simm.s32 $_size__tile_overlayer_lowered;
	s7 =	simm.s32 $_tile_overlayer_lowered  }
0x9c: {  	s22 =	simm.s32 $0x1BFF;
	s21 =	sshll.u32 s7, $0x1;
	s4 =	sadd.s32 s5, s19  }
0x9d: {  	s8 =	simm.s32 $0x0;
	s20 =	sshll.u32 s6, $0x1;
	s6 =	sadd.s32 s21, s4  }
0x9e: {  	[timem:s8], [sflag:s22] =	dma.local [hbm:s6], s20  }
0x9f: {  	_ =	swait.ge [sflag:s22], s20  }
0xa0: {  	s5 =	ssub.s32 $0x0, s20;
	[sflag:s22] =	ssyncset.done $0x0  }
0xa1: {  	[sflag:s22] =	ssyncadd.s32 s5;
	_ =	sdelay $0x1  }
0xa2: {  	s23 =	simm.s32 $0x1B8B  }
0xa3: {  	_ =	swait.ge [sflag:s23], $0x1  }
0xa4: {  	[sflag:s23] =	ssyncset.done $0x0  }
0xa5: {  	s25 =	simm.s32 $0x1B8E;
	s24 =	sld [smem:$0x3FFE];
	[sflag:s23] =	ssyncadd.s32 $0xFFFFFFFF  }
0xa6: {  	s26 =	simm.s32 $execute0_lowered;
	[smem:$0x3FD2] =	sst s25  }
0xa7: {  	s6 =	sshll.u32 s26, $0x1;
	_ =	strace $0x80000046;
	[dreg:$0x1] =	wrdreg $0xFFFFFFFF  }
0xa8: {  	s28 =	simm.s32 $_size_execute0_lowered;
	s4 =	sadd.s32 s4, s6;
	[dreg:$0x0] =	wrdreg $0x0  }
0xa9: {  	s6 =	sshll.u32 s28, $0x1;
	[dreg:$0x2] =	wrdreg s4  }
0xaa: {  	[dreg:$0x3] =	wrdreg s6  }
0xab: {  	[dreg:$0x4] =	wrdreg $0xC0  }
0xac: {  	_ =	task [dreg:s8], $0x5FFFF  }
0xad: {  	[dreg:$0x1] =	wrdreg $0xFFFFFFFF  }
0xae: {  	[dreg:$0x0] =	wrdreg $0x60  }
0xaf: {  	[dreg:$0x2] =	wrdreg s2  }
0xb0: {  	[dreg:$0x3] =	wrdreg s24  }
0xb1: {  	[dreg:$0x4] =	wrdreg s18  }
0xb2: {  	[dreg:$0x5] =	wrdreg $0x9  }
0xb3: {  	_ =	task.clear_ibuf [dreg:s8], $0x6FFFF;
	_ =	strace $0x90000046  }
0xb4: {  	s29 =	simm.s32 $0x9;
	_ =	strace $0x80000048  }
0xb5: {  	_ =	swait.ge [sflag:s29], $0x1  }
0xb6: {  	[sflag:s29] =	ssyncadd.s32 $0xFFFFFFFF  }
0xb7: {  	_ =	strace $0x90000048  }
0xb8: {  	_ =	sfence  }
0xb9: {  	s30 =	sld [smem:$0x0];
	_ =	sdelay $0x2  }
0xba: {  	s31 =	sshll.u32 s1, $0xD;
	s1 =	sshrl.u32 s1, $0x2  }
0xbb: {  	s3 =	sand.u32 $0x4000, s31;
	s1 =	sadd.s32 s1, s30  }
0xbc: {  	s0 =	sor.u32 s3, s0;
	s1 =	sshll.u32 s1, $0x11  }
0xbd: {  	s0 =	sor.u32 s1, s0  }
0xbe: {  	s0 =	sadd.s32 $0x8F2B, s0  }
0xbf: {  	[sflag:s0] =	ssyncadd.remote.s32 $0x1  }
0xc0: {  	_ =	sfence.sel $0xFFFF  }
0xc1: {  	[dreg:$0x0] =	wrdreg $0xFFFFFFFF;
	(pc) =	sbr.abs _section_cstart, $3  }
0xc2: {  	[dreg:$0x1] =	wrdreg $0xFFFFFFFF  }
0xc3: {  	_ =	task.clear_ibuf [dreg:s8], $0x2FFFF;
	_ =	strace $0x9FFFFFFF  }
0xc4: {  	(tm) =	ssettm $0x7FFFFFFF  }
0xc5: {  	_ =	shalt  }
tec
execute0_lowered:
.L_overlay_start_1:
0x0: {  	(tag) =	ssettag $0x1  }
0x1: {  	v0 =	vimm.s32 $0x1380  }
0x2: {  	vm14 =	vcmask $0x300;
	vm13 =	vcmask $0x704;
	vm12 =	vcmask $0xB08  }
0x3: {  	vm11 =	vcmask $0xF0C;
	vm10 =	vcmask $0x1310;
	vm9 =	vcmask $0x1714  }
0x4: {  	vm8 =	vcmask $0x1B18;
	vm7 =	vcmask $0x1F1C;
	vm6 =	vcmask $0x2320  }
0x5: {  	vm5 =	vcmask $0x2724;
	vm4 =	vcmask $0x2B28;
	vm3 =	vcmask $0x2F2C  }
0x6: {  	vm2 =	vcmask $0x3330;
	vm1 =	vcmask $0x3734;
	vm0 =	vcmask $0x3B38  }
0x7: {  	v1 =	vimm.s32 $0x3380;
	v2 =	vimm.s32 $0x5380;
	v3 =	vimm.s32 $0x7380  }
0x8: {  	v0 =	vsel vm14, $0x0, v0;
	v1 =	vsel vm14, $0x2000, v1;
	v2 =	vsel vm14, $0x4000, v2  }
0x9: {  	v3 =	vsel vm14, $0x6000, v3;
	v0 =	vsel vm13, $0x80, v0;
	v1 =	vsel vm13, $0x2080, v1  }
0xa: {  	v2 =	vsel vm13, $0x4080, v2;
	v3 =	vsel vm13, $0x6080, v3;
	v0 =	vsel vm12, $0x100, v0  }
0xb: {  	v1 =	vsel vm12, $0x2100, v1;
	v2 =	vsel vm12, $0x4100, v2;
	v3 =	vsel vm12, $0x6100, v3  }
0xc: {  	v0 =	vsel vm11, $0x180, v0;
	v1 =	vsel vm11, $0x2180, v1;
	v2 =	vsel vm11, $0x4180, v2  }
0xd: {  	v3 =	vsel vm11, $0x6180, v3;
	v0 =	vsel vm10, $0x200, v0;
	v1 =	vsel vm10, $0x2200, v1  }
0xe: {  	v2 =	vsel vm10, $0x4200, v2;
	v3 =	vsel vm10, $0x6200, v3;
	v0 =	vsel vm9, $0x280, v0  }
0xf: {  	s0 =	rddreg [dreg:$0x0];
	v1 =	vsel vm9, $0x2280, v1;
	v2 =	vsel vm9, $0x4280, v2;
	v3 =	vsel vm9, $0x6280, v3  }
0x10: {  	s1 =	rddreg [dreg:$0x1];
	v0 =	vsel vm8, $0x300, v0;
	v1 =	vsel vm8, $0x2300, v1;
	v2 =	vsel vm8, $0x4300, v2  }
0x11: {  	s4 =	rddreg [dreg:$0x2];
	s2 =	simm.s32 $0x0;
	s3 =	srdreg.scid;
	v3 =	vsel vm8, $0x6300, v3;
	v0 =	vsel vm7, $0x380, v0;
	v1 =	vsel vm7, $0x2380, v1  }
0x12: {  	s5 =	stileid.u32;
	s14 =	simm.s32 $0x3;
	s15 =	simm.s32 $0x80;
	v2 =	vsel vm7, $0x4380, v2;
	v3 =	vsel vm7, $0x6380, v3;
	v0 =	vsel vm6, $0x1000, v0  }
0x13: {  	s24 =	simm.s32 $0x1;
	s25 =	simm.s32 $0x8400;
	s16 =	simm.s32 $0x2;
	v1 =	vsel vm6, $0x3000, v1;
	v2 =	vsel vm6, $0x5000, v2;
	v3 =	vsel vm6, $0x7000, v3  }
0x14: {  	s17 =	simm.s32 $0x0;
	[smem:$0x7FF] =	sst s2;
	s3 =	sand.u32 $0x1, s3;
	v0 =	vsel vm5, $0x1080, v0;
	v1 =	vsel vm5, $0x3080, v1;
	v2 =	vsel vm5, $0x5080, v2  }
0x15: {  	s5 =	sshll.u32 s5, $0x1;
	_ =	strace $0x80000047;
	s6 =	ssub.s32 $0x2, s3;
	v3 =	vsel vm5, $0x7080, v3;
	v0 =	vsel vm4, $0x1100, v0;
	v1 =	vsel vm4, $0x3100, v1  }
0x16: {  	s5 =	sor.u32 s3, s5;
	s3 =	sadd.s32 $0x400, s1;
	s31 =	sshrl.u32 s6, $0x1;
	v2 =	vsel vm4, $0x5100, v2;
	v3 =	vsel vm4, $0x7100, v3;
	v0 =	vsel vm3, $0x1180, v0  }
0x17: {  	s7 =	sshll.u32 s5, $0x9;
	s5 =	sshll.u32 s5, $0x6;
	s1 =	ssub.s32 s6, s31;
	v1 =	vsel vm3, $0x3180, v1;
	v2 =	vsel vm3, $0x5180, v2;
	v3 =	vsel vm3, $0x7180, v3  }
0x18: {  	s4 =	sadd.s32 s4, s7;
	s5 =	sadd.s32 s0, s5;
	s0 =	simm.s32 $0xE400;
	v0 =	vsel vm2, $0x1200, v0;
	v1 =	vsel vm2, $0x3200, v1;
	v2 =	vsel vm2, $0x5200, v2  }
0x19: {  	s6 =	sadd.s32 $0x4000, s4;
	s7 =	sadd.s32 $0x8000, s4;
	s8 =	sadd.s32 $0xC000, s4;
	v3 =	vsel vm2, $0x7200, v3;
	v0 =	vsel vm1, $0x1280, v0;
	v1 =	vsel vm1, $0x3280, v1  }
0x1a: {  	s9 =	sadd.s32 $0x10000, s4;
	s10 =	sadd.s32 $0x14000, s4;
	s11 =	sadd.s32 $0x18000, s4;
	v2 =	vsel vm1, $0x5280, v2;
	v3 =	vsel vm1, $0x7280, v3;
	v0 =	vsel vm0, $0x1300, v0  }
0x1b: {  	s12 =	sadd.s32 $0x1C000, s4;
	s13 =	smax.u32 s1, $0x1;
	s1 =	simm.s32 $0xF400;
	v1 =	vsel vm0, $0x3300, v1;
	v2 =	vsel vm0, $0x5300, v2;
	v3 =	vsel vm0, $0x7300, v3  }
.LBB2_1:
0x1c: {  	[tilespmem:s2], [sflag:$0x3] =	stream.linear.gather [hbm4b:s5+s2], $0x200, $0x38;
	[tilespmem:$0x10400] =	vst v63  }
0x1d: {  	_ =	swait.ge [sflag:s14], $0x200  }
0x1e: {  	[sflag:s14] =	ssyncset.done $0x0  }
0x1f: {  	[sflag:s14] =	ssyncadd.s32 $0xFFFFFE00  }
0x20: {  	v4 =	vld [tilespmem:$0x0]  }
0x21: {  	v5 =	vld [tilespmem:$0x10]  }
0x22: {  	v6 =	vld [tilespmem:$0x20]  }
0x23: {  	v7 =	vld [tilespmem:$0x30]  }
0x24: {  	v8 =	vld [tilespmem:$0x40]  }
0x25: {  	v9 =	vld [tilespmem:$0x50]  }
0x26: {  	v10 =	vld [tilespmem:$0x60];
	_ =	sdelay $0x1  }
0x27: {  	v4 =	vmul.f32 $5.000000000e-01, v4  }
0x28: {  	v5 =	vmul.f32 $5.000000000e-01, v5;
	v6 =	vmul.f32 $5.000000000e-01, v6  }
0x29: {  	v7 =	vmul.f32 $5.000000000e-01, v7;
	v8 =	vmul.f32 $5.000000000e-01, v8  }
0x2a: {  	v9 =	vmul.f32 $5.000000000e-01, v9;
	v10 =	vmul.f32 $5.000000000e-01, v10  }
0x2b: {  	v4 =	vtrunc.f32 v4;
	v5 =	vtrunc.f32 v5  }
0x2c: {  	v6 =	vtrunc.f32 v6;
	v7 =	vtrunc.f32 v7  }
0x2d: {  	v11 =	vld [tilespmem:$0x70];
	v8 =	vtrunc.f32 v8;
	v4 =	vcvt.f32.s32 v4  }
0x2e: {  	v5 =	vcvt.f32.s32 v5;
	v6 =	vcvt.f32.s32 v6  }
0x2f: {  	v7 =	vcvt.f32.s32 v7;
	v8 =	vcvt.f32.s32 v8  }
0x30: {  	vm0 =	vlt.s32 v4, $0x3FF;
	vm1 =	vlt.s32 v5, $0x3FF;
	vm10 =	vlt.s32 v6, $0x3FF  }
0x31: {  	vm11 =	vlt.s32 v7, $0x3FF;
	v4 =	vnsel vm0, $0x3FF, v4;
	v5 =	vnsel vm1, $0x3FF, v5  }
0x32: {  	v6 =	vnsel vm10, $0x3FF, v6;
	[tilespmem:$0x200] =	vst v4;
	v4 =	vtrunc.f32 v9;
	v9 =	vmul.f32 $5.000000000e-01, v11  }
0x33: {  	[tilespmem:$0x210] =	vst v5;
	v5 =	vnsel vm11, $0x3FF, v7;
	v7 =	vtrunc.f32 v10;
	v4 =	vcvt.f32.s32 v4  }
0x34: {  	vm12 =	vlt.s32 v8, $0x3FF;
	[tilespmem:$0x220] =	vst v6;
	v6 =	vcvt.f32.s32 v7;
	v7 =	vtrunc.f32 v9  }
0x35: {  	[tilespmem:$0x230] =	vst v5;
	v5 =	vnsel vm12, $0x3FF, v8;
	vm13 =	vlt.s32 v4, $0x3FF;
	v7 =	vcvt.f32.s32 v7  }
0x36: {  	[tilespmem:$0x240] =	vst v5;
	vm14 =	vlt.s32 v6, $0x3FF;
	v4 =	vnsel vm13, $0x3FF, v4  }
0x37: {  	[tilespmem:$0x250] =	vst v4;
	v4 =	vnsel vm14, $0x3FF, v6;
	vm15 =	vlt.s32 v7, $0x3FF  }
0x38: {  	[tilespmem:$0x260] =	vst v4;
	v4 =	vnsel vm15, $0x3FF, v7  }
0x39: {  	s18 =	simm.s32 $0x200;
	s19 =	simm.s32 $0x400;
	[tilespmem:$0x270] =	vst v4  }
0x3a: {  	[tilespmem:s19], [sflag:$0x1] =	stream.indirect.gather [hbm4b:s3+s15], $0x40, s18, s15, $0xb8;
	[tilespmem:$0x10400] =	vst v63  }
0x3b: {  	v4 =	vld [tilespmem:$0x80]  }
0x3c: {  	v5 =	vld [tilespmem:$0x90]  }
0x3d: {  	v6 =	vld [tilespmem:$0xA0]  }
0x3e: {  	v7 =	vld [tilespmem:$0xB0]  }
0x3f: {  	v8 =	vld [tilespmem:$0xC0]  }
0x40: {  	v9 =	vld [tilespmem:$0xD0]  }
0x41: {  	v10 =	vld [tilespmem:$0xE0];
	_ =	sdelay $0x1  }
0x42: {  	v4 =	vmul.f32 $5.000000000e-01, v4  }
0x43: {  	v5 =	vmul.f32 $5.000000000e-01, v5;
	v6 =	vmul.f32 $5.000000000e-01, v6  }
0x44: {  	v7 =	vmul.f32 $5.000000000e-01, v7;
	v8 =	vmul.f32 $5.000000000e-01, v8  }
0x45: {  	v9 =	vmul.f32 $5.000000000e-01, v9;
	v10 =	vmul.f32 $5.000000000e-01, v10  }
0x46: {  	v4 =	vtrunc.f32 v4;
	v5 =	vtrunc.f32 v5  }
0x47: {  	v6 =	vtrunc.f32 v6;
	v7 =	vtrunc.f32 v7  }
0x48: {  	v11 =	vld [tilespmem:$0xF0];
	v8 =	vtrunc.f32 v8;
	v4 =	vcvt.f32.s32 v4  }
0x49: {  	v5 =	vcvt.f32.s32 v5;
	v6 =	vcvt.f32.s32 v6  }
0x4a: {  	v7 =	vcvt.f32.s32 v7;
	v8 =	vcvt.f32.s32 v8  }
0x4b: {  	vm4 =	vlt.s32 v4, $0x3FF;
	vm5 =	vlt.s32 v5, $0x3FF;
	vm6 =	vlt.s32 v6, $0x3FF  }
0x4c: {  	vm7 =	vlt.s32 v7, $0x3FF;
	v4 =	vnsel vm4, $0x3FF, v4;
	v5 =	vnsel vm5, $0x3FF, v5  }
0x4d: {  	v6 =	vnsel vm6, $0x3FF, v6;
	[tilespmem:$0x280] =	vst v4;
	v4 =	vtrunc.f32 v9;
	v9 =	vmul.f32 $5.000000000e-01, v11  }
0x4e: {  	[tilespmem:$0x290] =	vst v5;
	v5 =	vnsel vm7, $0x3FF, v7;
	v7 =	vtrunc.f32 v10;
	v4 =	vcvt.f32.s32 v4  }
0x4f: {  	vm8 =	vlt.s32 v8, $0x3FF;
	[tilespmem:$0x2A0] =	vst v6;
	v6 =	vcvt.f32.s32 v7;
	v7 =	vtrunc.f32 v9  }
0x50: {  	[tilespmem:$0x2B0] =	vst v5;
	v5 =	vnsel vm8, $0x3FF, v8;
	vm9 =	vlt.s32 v4, $0x3FF;
	v7 =	vcvt.f32.s32 v7  }
0x51: {  	[tilespmem:$0x2C0] =	vst v5;
	vm10 =	vlt.s32 v6, $0x3FF;
	v4 =	vnsel vm9, $0x3FF, v4  }
0x52: {  	[tilespmem:$0x2D0] =	vst v4;
	v4 =	vnsel vm10, $0x3FF, v6;
	vm11 =	vlt.s32 v7, $0x3FF  }
0x53: {  	[tilespmem:$0x2E0] =	vst v4;
	v4 =	vnsel vm11, $0x3FF, v7  }
0x54: {  	s21 =	simm.s32 $0x280;
	s22 =	simm.s32 $0x2400;
	[tilespmem:$0x2F0] =	vst v4  }
0x55: {  	[tilespmem:s22], [sflag:$0x1] =	stream.indirect.gather [hbm4b:s3+s15], $0x40, s21, s15, $0xb8;
	[tilespmem:$0x10400] =	vst v63  }
0x56: {  	v4 =	vld [tilespmem:$0x100]  }
0x57: {  	v5 =	vld [tilespmem:$0x110]  }
0x58: {  	v6 =	vld [tilespmem:$0x120]  }
0x59: {  	v7 =	vld [tilespmem:$0x130]  }
0x5a: {  	v8 =	vld [tilespmem:$0x140]  }
0x5b: {  	v9 =	vld [tilespmem:$0x150]  }
0x5c: {  	v10 =	vld [tilespmem:$0x160];
	_ =	sdelay $0x1  }
0x5d: {  	v4 =	vmul.f32 $5.000000000e-01, v4  }
0x5e: {  	v5 =	vmul.f32 $5.000000000e-01, v5;
	v6 =	vmul.f32 $5.000000000e-01, v6  }
0x5f: {  	v7 =	vmul.f32 $5.000000000e-01, v7;
	v8 =	vmul.f32 $5.000000000e-01, v8  }
0x60: {  	v9 =	vmul.f32 $5.000000000e-01, v9;
	v10 =	vmul.f32 $5.000000000e-01, v10  }
0x61: {  	v4 =	vtrunc.f32 v4;
	v5 =	vtrunc.f32 v5  }
0x62: {  	v6 =	vtrunc.f32 v6;
	v7 =	vtrunc.f32 v7  }
0x63: {  	v11 =	vld [tilespmem:$0x170];
	v8 =	vtrunc.f32 v8;
	v4 =	vcvt.f32.s32 v4  }
0x64: {  	v5 =	vcvt.f32.s32 v5;
	v6 =	vcvt.f32.s32 v6  }
0x65: {  	v7 =	vcvt.f32.s32 v7;
	v8 =	vcvt.f32.s32 v8  }
0x66: {  	vm12 =	vlt.s32 v4, $0x3FF;
	vm13 =	vlt.s32 v5, $0x3FF;
	vm14 =	vlt.s32 v6, $0x3FF  }
0x67: {  	vm15 =	vlt.s32 v7, $0x3FF;
	v4 =	vnsel vm12, $0x3FF, v4;
	v5 =	vnsel vm13, $0x3FF, v5  }
0x68: {  	v6 =	vnsel vm14, $0x3FF, v6;
	[tilespmem:$0x300] =	vst v4;
	v4 =	vtrunc.f32 v9;
	v9 =	vmul.f32 $5.000000000e-01, v11  }
0x69: {  	[tilespmem:$0x310] =	vst v5;
	v5 =	vnsel vm15, $0x3FF, v7;
	v7 =	vtrunc.f32 v10;
	v4 =	vcvt.f32.s32 v4  }
0x6a: {  	vm4 =	vlt.s32 v8, $0x3FF;
	[tilespmem:$0x320] =	vst v6;
	v6 =	vcvt.f32.s32 v7;
	v7 =	vtrunc.f32 v9  }
0x6b: {  	[tilespmem:$0x330] =	vst v5;
	v5 =	vnsel vm4, $0x3FF, v8;
	vm5 =	vlt.s32 v4, $0x3FF;
	v7 =	vcvt.f32.s32 v7  }
0x6c: {  	[tilespmem:$0x340] =	vst v5;
	vm6 =	vlt.s32 v6, $0x3FF;
	v4 =	vnsel vm5, $0x3FF, v4  }
0x6d: {  	[tilespmem:$0x350] =	vst v4;
	v4 =	vnsel vm6, $0x3FF, v6;
	vm7 =	vlt.s32 v7, $0x3FF  }
0x6e: {  	[tilespmem:$0x360] =	vst v4;
	v4 =	vnsel vm7, $0x3FF, v7  }
0x6f: {  	s23 =	simm.s32 $0x300;
	s26 =	simm.s32 $0x4400;
	[tilespmem:$0x370] =	vst v4  }
0x70: {  	[tilespmem:s26], [sflag:$0x1] =	stream.indirect.gather [hbm4b:s3+s15], $0x40, s23, s15, $0xb8;
	[tilespmem:$0x10400] =	vst v63  }
0x71: {  	v4 =	vld [tilespmem:$0x180]  }
0x72: {  	v5 =	vld [tilespmem:$0x190]  }
0x73: {  	v6 =	vld [tilespmem:$0x1A0]  }
0x74: {  	v7 =	vld [tilespmem:$0x1B0]  }
0x75: {  	v8 =	vld [tilespmem:$0x1C0]  }
0x76: {  	v9 =	vld [tilespmem:$0x1D0]  }
0x77: {  	v10 =	vld [tilespmem:$0x1E0];
	_ =	sdelay $0x1  }
0x78: {  	v4 =	vmul.f32 $5.000000000e-01, v4  }
0x79: {  	v5 =	vmul.f32 $5.000000000e-01, v5;
	v6 =	vmul.f32 $5.000000000e-01, v6  }
0x7a: {  	v7 =	vmul.f32 $5.000000000e-01, v7;
	v8 =	vmul.f32 $5.000000000e-01, v8  }
0x7b: {  	v9 =	vmul.f32 $5.000000000e-01, v9;
	v10 =	vmul.f32 $5.000000000e-01, v10  }
0x7c: {  	v4 =	vtrunc.f32 v4;
	v5 =	vtrunc.f32 v5  }
0x7d: {  	v6 =	vtrunc.f32 v6;
	v7 =	vtrunc.f32 v7  }
0x7e: {  	v11 =	vld [tilespmem:$0x1F0];
	v8 =	vtrunc.f32 v8;
	v4 =	vcvt.f32.s32 v4  }
0x7f: {  	v5 =	vcvt.f32.s32 v5;
	v6 =	vcvt.f32.s32 v6  }
0x80: {  	v7 =	vcvt.f32.s32 v7;
	v8 =	vcvt.f32.s32 v8  }
0x81: {  	vm8 =	vlt.s32 v4, $0x3FF;
	vm9 =	vlt.s32 v5, $0x3FF;
	vm10 =	vlt.s32 v6, $0x3FF  }
0x82: {  	vm11 =	vlt.s32 v7, $0x3FF;
	v4 =	vnsel vm8, $0x3FF, v4;
	v5 =	vnsel vm9, $0x3FF, v5  }
0x83: {  	v6 =	vnsel vm10, $0x3FF, v6;
	[tilespmem:$0x380] =	vst v4;
	v4 =	vtrunc.f32 v9;
	v9 =	vmul.f32 $5.000000000e-01, v11  }
0x84: {  	[tilespmem:$0x390] =	vst v5;
	v5 =	vnsel vm11, $0x3FF, v7;
	v7 =	vtrunc.f32 v10;
	v4 =	vcvt.f32.s32 v4  }
0x85: {  	vm12 =	vlt.s32 v8, $0x3FF;
	[tilespmem:$0x3A0] =	vst v6;
	v6 =	vcvt.f32.s32 v7;
	v7 =	vtrunc.f32 v9  }
0x86: {  	[tilespmem:$0x3B0] =	vst v5;
	v5 =	vnsel vm12, $0x3FF, v8;
	vm13 =	vlt.s32 v4, $0x3FF;
	v7 =	vcvt.f32.s32 v7  }
0x87: {  	[tilespmem:$0x3C0] =	vst v5;
	vm14 =	vlt.s32 v6, $0x3FF;
	v4 =	vnsel vm13, $0x3FF, v4  }
0x88: {  	[tilespmem:$0x3D0] =	vst v4;
	v4 =	vnsel vm14, $0x3FF, v6;
	vm15 =	vlt.s32 v7, $0x3FF  }
0x89: {  	[tilespmem:$0x3E0] =	vst v4;
	v4 =	vnsel vm15, $0x3FF, v7  }
0x8a: {  	s28 =	simm.s32 $0x380;
	s29 =	simm.s32 $0x6400;
	[tilespmem:$0x3F0] =	vst v4  }
0x8b: {  	[tilespmem:s29], [sflag:$0x1] =	stream.indirect.gather [hbm4b:s3+s15], $0x40, s28, s15, $0xb8;
	[tilespmem:$0x10400] =	vst v63  }
0x8c: {  	_ =	swait.ge [sflag:s24], $0x2000  }
0x8d: {  	[sflag:s24] =	ssyncset.done $0x0  }
0x8e: {  	s30 =	simm.s32 $0x500;
	s28 =	simm.s32 $0x7;
	[sflag:s24] =	ssyncadd.s32 $0xFFFFE000  }
0x8f: {  	s21 =	simm.s32 $0x1;
	v5 =	vor.u32 s28, v0;
	v4 =	vld [tilespmem:s30+$0xC0]  }
0x90: {  	s23 =	simm.s32 $0x2;
	v7 =	vor.u32 s21, v0;
	v6 =	vld [tilespmem:s30+$0xFFFFFF40]  }
0x91: {  	s31 =	simm.s32 $0x3;
	v9 =	vor.u32 s23, v0;
	v8 =	vld [tilespmem:s30+$0xFFFFFF80]  }
0x92: {  	s20 =	simm.s32 $0x4;
	v11 =	vor.u32 s31, v0;
	v10 =	vld [tilespmem:s30+$0xFFFFFFC0]  }
0x93: {  	v13 =	vor.u32 s20, v0;
	s22 =	simm.s32 $0x5;
	v12 =	vld [tilespmem:s30+$0x0]  }
0x94: {  	v15 =	vor.u32 s22, v0;
	s26 =	simm.s32 $0x6;
	v14 =	vld [tilespmem:s30+$0x40];
	[tilespmem:v5+s25+$0x0] =	vst.idx.msk $0xffff, v4  }
0x95: {  	[tilespmem:v7+s25+$0x0] =	vst.idx.msk $0xffff, v6;
	v6 =	vld [tilespmem:s30+$0x80];
	v7 =	vor.u32 s26, v0  }
0x96: {  	v5 =	vor.u32 s28, v1;
	[tilespmem:v9+s25+$0x0] =	vst.idx.msk $0xffff, v8;
	v4 =	vld [tilespmem:s30+$0xD0]  }
0x97: {  	v8 =	vld [tilespmem:s30+$0xFFFFFF00];
	v9 =	vor.u32 s2, v0;
	[tilespmem:v11+s25+$0x0] =	vst.idx.msk $0xffff, v10  }
0x98: {  	v11 =	vor.u32 s21, v1;
	[tilespmem:v13+s25+$0x0] =	vst.idx.msk $0xffff, v12;
	v10 =	vld [tilespmem:s30+$0xFFFFFF50]  }
0x99: {  	v13 =	vor.u32 s23, v1;
	[tilespmem:v15+s25+$0x0] =	vst.idx.msk $0xffff, v14;
	v12 =	vld [tilespmem:s30+$0xFFFFFF90]  }
0x9a: {  	v15 =	vor.u32 s31, v1;
	v14 =	vld [tilespmem:s30+$0xFFFFFFD0];
	[tilespmem:v7+s25+$0x0] =	vst.idx.msk $0xffff, v6  }
0x9b: {  	v6 =	vld [tilespmem:s30+$0x10];
	v7 =	vor.u32 s20, v1;
	[tilespmem:v5+s25+$0x0] =	vst.idx.msk $0xffff, v4  }
0x9c: {  	[tilespmem:v9+s25+$0x0] =	vst.idx.msk $0xffff, v8;
	v5 =	vor.u32 s28, v2;
	v4 =	vld [tilespmem:s30+$0xE0]  }
0x9d: {  	v8 =	vld [tilespmem:s30+$0x50];
	v9 =	vor.u32 s22, v1;
	[tilespmem:v11+s25+$0x0] =	vst.idx.msk $0xffff, v10  }
0x9e: {  	[tilespmem:v13+s25+$0x0] =	vst.idx.msk $0xffff, v12;
	v10 =	vld [tilespmem:s30+$0x90];
	v11 =	vor.u32 s26, v1  }
0x9f: {  	v12 =	vld [tilespmem:s30+$0xFFFFFF10];
	v13 =	vor.u32 s2, v1;
	[tilespmem:v15+s25+$0x0] =	vst.idx.msk $0xffff, v14  }
0xa0: {  	v15 =	vor.u32 s21, v2;
	v14 =	vld [tilespmem:s30+$0xFFFFFF60];
	[tilespmem:v7+s25+$0x0] =	vst.idx.msk $0xffff, v6  }
0xa1: {  	v6 =	vld [tilespmem:s30+$0xFFFFFFA0];
	v7 =	vor.u32 s23, v2;
	[tilespmem:v5+s25+$0x0] =	vst.idx.msk $0xffff, v4  }
0xa2: {  	[tilespmem:v9+s25+$0x0] =	vst.idx.msk $0xffff, v8;
	v5 =	vor.u32 s28, v3;
	v4 =	vld [tilespmem:s30+$0xF0]  }
0xa3: {  	v8 =	vld [tilespmem:s30+$0xFFFFFFE0];
	v9 =	vor.u32 s31, v2;
	[tilespmem:v11+s25+$0x0] =	vst.idx.msk $0xffff, v10  }
0xa4: {  	[tilespmem:v13+s25+$0x0] =	vst.idx.msk $0xffff, v12;
	v10 =	vld [tilespmem:s30+$0x20];
	v11 =	vor.u32 s20, v2  }
0xa5: {  	v12 =	vld [tilespmem:s30+$0x60];
	v13 =	vor.u32 s22, v2;
	[tilespmem:v15+s25+$0x0] =	vst.idx.msk $0xffff, v14  }
0xa6: {  	v14 =	vld [tilespmem:s30+$0xA0];
	v15 =	vor.u32 s26, v2;
	[tilespmem:v7+s25+$0x0] =	vst.idx.msk $0xffff, v6  }
0xa7: {  	[tilespmem:v5+s25+$0x0] =	vst.idx.msk $0xffff, v4;
	v4 =	vld [tilespmem:s30+$0xFFFFFF20];
	v5 =	vor.u32 s2, v2  }
0xa8: {  	v16 =	vor.u32 s21, v3;
	v6 =	vld [tilespmem:s30+$0xFFFFFF70];
	[tilespmem:v9+s25+$0x0] =	vst.idx.msk $0xffff, v8  }
0xa9: {  	v18 =	vor.u32 s23, v3;
	v17 =	vld [tilespmem:s30+$0xFFFFFFB0];
	[tilespmem:v11+s25+$0x0] =	vst.idx.msk $0xffff, v10  }
0xaa: {  	v11 =	vld [tilespmem:s30+$0xFFFFFFF0];
	[tilespmem:v13+s25+$0x0] =	vst.idx.msk $0xffff, v12;
	v13 =	vor.u32 s31, v3  }
0xab: {  	v12 =	vor.u32 s20, v3;
	v7 =	vld [tilespmem:s30+$0x30];
	[tilespmem:v15+s25+$0x0] =	vst.idx.msk $0xffff, v14  }
0xac: {  	v10 =	vor.u32 s22, v3;
	[tilespmem:v5+s25+$0x0] =	vst.idx.msk $0xffff, v4;
	v4 =	vld [tilespmem:s30+$0x70]  }
0xad: {  	s18 =	simm.s32 $0x8;
	v8 =	vor.u32 s26, v3;
	[tilespmem:v16+s25+$0x0] =	vst.idx.msk $0xffff, v6;
	v5 =	vld [tilespmem:s30+$0xB0]  }
0xae: {  	s19 =	simm.s32 $0x700;
	s21 =	simm.s32 $0x10;
	v9 =	vor.u32 s2, v3;
	s20 =	simm.s32 $0xF;
	[tilespmem:v18+s25+$0x0] =	vst.idx.msk $0xffff, v17;
	v6 =	vld [tilespmem:s30+$0xFFFFFF30]  }
.LBB2_2:
0xaf: {  	p0 =	slt.u32 s21, $0x78;
	s23 =	sadd.s32 $0x1, s18;
	v14 =	vld [tilespmem:s19+$0xC0];
	v15 =	vor.u32 s20, v0;
	[tilespmem:v13+s25+$0x0] =	vst.idx.msk $0xffff, v11;
	s22 =	smov.u32 s18  }
0xb0: {  	s18 =	smov.u32 s21;
	v11 =	vld [tilespmem:s19+$0xFFFFFF40];
	v13 =	vor.u32 s23, v0;
	s26 =	sadd.s32 $0x2, s22;
	[tilespmem:v12+s25+$0x0] =	vst.idx.msk $0xffff, v7  }
0xb1: {  	s28 =	sadd.s32 $0x3, s22;
	v7 =	vld [tilespmem:s19+$0xFFFFFF80];
	v12 =	vor.u32 s26, v0;
	[tilespmem:v10+s25+$0x0] =	vst.idx.msk $0xffff, v4  }
0xb2: {  	s29 =	sadd.s32 $0x4, s22;
	v10 =	vor.u32 s28, v0;
	v4 =	vld [tilespmem:s19+$0xFFFFFFC0];
	[tilespmem:v8+s25+$0x0] =	vst.idx.msk $0xffff, v5  }
0xb3: {  	s30 =	sadd.s32 $0x5, s22;
	v8 =	vor.u32 s29, v0;
	v5 =	vld [tilespmem:s19+$0x0];
	[tilespmem:v9+s25+$0x0] =	vst.idx.msk $0xffff, v6  }
0xb4: {  	v9 =	vor.u32 s30, v0;
	v6 =	vld [tilespmem:s19+$0x40];
	[tilespmem:v15+s25+$0x0] =	vst.idx.msk $0xffff, v14  }
0xb5: {  	s31 =	sadd.s32 $0x6, s22;
	[tilespmem:v13+s25+$0x0] =	vst.idx.msk $0xffff, v11;
	v11 =	vld [tilespmem:s19+$0xD0];
	v13 =	vor.u32 s20, v1  }
0xb6: {  	[tilespmem:v12+s25+$0x0] =	vst.idx.msk $0xffff, v7;
	v7 =	vld [tilespmem:s19+$0x80];
	v12 =	vor.u32 s31, v0  }
0xb7: {  	v15 =	vor.u32 s22, v0;
	v14 =	vld [tilespmem:s19+$0xFFFFFF00];
	[tilespmem:v10+s25+$0x0] =	vst.idx.msk $0xffff, v4  }
0xb8: {  	v10 =	vor.u32 s23, v1;
	v4 =	vld [tilespmem:s19+$0xFFFFFF50];
	[tilespmem:v8+s25+$0x0] =	vst.idx.msk $0xffff, v5  }
0xb9: {  	v8 =	vor.u32 s26, v1;
	v5 =	vld [tilespmem:s19+$0xFFFFFF90];
	[tilespmem:v9+s25+$0x0] =	vst.idx.msk $0xffff, v6  }
0xba: {  	v9 =	vor.u32 s28, v1;
	v6 =	vld [tilespmem:s19+$0xFFFFFFD0];
	[tilespmem:v13+s25+$0x0] =	vst.idx.msk $0xffff, v11  }
0xbb: {  	v11 =	vor.u32 s20, v2;
	[tilespmem:v12+s25+$0x0] =	vst.idx.msk $0xffff, v7;
	v7 =	vld [tilespmem:s19+$0xE0]  }
0xbc: {  	v13 =	vor.u32 s29, v1;
	[tilespmem:v15+s25+$0x0] =	vst.idx.msk $0xffff, v14;
	v12 =	vld [tilespmem:s19+$0x10]  }
0xbd: {  	[tilespmem:v10+s25+$0x0] =	vst.idx.msk $0xffff, v4;
	v4 =	vld [tilespmem:s19+$0x50];
	v10 =	vor.u32 s30, v1  }
0xbe: {  	[tilespmem:v8+s25+$0x0] =	vst.idx.msk $0xffff, v5;
	v5 =	vld [tilespmem:s19+$0x90];
	v8 =	vor.u32 s31, v1  }
0xbf: {  	v15 =	vor.u32 s22, v1;
	v14 =	vld [tilespmem:s19+$0xFFFFFF10];
	[tilespmem:v9+s25+$0x0] =	vst.idx.msk $0xffff, v6  }
0xc0: {  	v9 =	vor.u32 s23, v2;
	v6 =	vld [tilespmem:s19+$0xFFFFFF60];
	[tilespmem:v11+s25+$0x0] =	vst.idx.msk $0xffff, v7  }
0xc1: {  	v11 =	vor.u32 s20, v3;
	[tilespmem:v13+s25+$0x0] =	vst.idx.msk $0xffff, v12;
	v7 =	vld [tilespmem:s19+$0xF0]  }
0xc2: {  	v13 =	vor.u32 s26, v2;
	v12 =	vld [tilespmem:s19+$0xFFFFFFA0];
	[tilespmem:v10+s25+$0x0] =	vst.idx.msk $0xffff, v4  }
0xc3: {  	v10 =	vor.u32 s28, v2;
	v4 =	vld [tilespmem:s19+$0xFFFFFFE0];
	[tilespmem:v8+s25+$0x0] =	vst.idx.msk $0xffff, v5  }
0xc4: {  	v8 =	vor.u32 s29, v2;
	[tilespmem:v15+s25+$0x0] =	vst.idx.msk $0xffff, v14;
	v5 =	vld [tilespmem:s19+$0x20]  }
0xc5: {  	[tilespmem:v9+s25+$0x0] =	vst.idx.msk $0xffff, v6;
	v6 =	vld [tilespmem:s19+$0x60];
	v9 =	vor.u32 s30, v2  }
0xc6: {  	v15 =	vor.u32 s31, v2;
	v14 =	vld [tilespmem:s19+$0xA0];
	[tilespmem:v11+s25+$0x0] =	vst.idx.msk $0xffff, v7  }
0xc7: {  	v17 =	vor.u32 s22, v2;
	v16 =	vld [tilespmem:s19+$0xFFFFFF20];
	[tilespmem:v13+s25+$0x0] =	vst.idx.msk $0xffff, v12  }
0xc8: {  	v19 =	vor.u32 s23, v3;
	v18 =	vld [tilespmem:s19+$0xFFFFFF70];
	[tilespmem:v10+s25+$0x0] =	vst.idx.msk $0xffff, v4  }
0xc9: {  	v21 =	vor.u32 s26, v3;
	v20 =	vld [tilespmem:s19+$0xFFFFFFB0];
	[tilespmem:v8+s25+$0x0] =	vst.idx.msk $0xffff, v5  }
.Ltmp0:
0xca: {  	v13 =	vor.u32 s28, v3;
	v11 =	vld [tilespmem:s19+$0xFFFFFFF0];
	[tilespmem:v9+s25+$0x0] =	vst.idx.msk $0xffff, v6;
	(pc) =	sbr.rel @p0 .LBB2_2-.Ltmp0, $4  }
0xcb: {  	v12 =	vor.u32 s29, v3;
	v7 =	vld [tilespmem:s19+$0x30];
	[tilespmem:v15+s25+$0x0] =	vst.idx.msk $0xffff, v14  }
0xcc: {  	v10 =	vor.u32 s30, v3;
	[tilespmem:v17+s25+$0x0] =	vst.idx.msk $0xffff, v16;
	v4 =	vld [tilespmem:s19+$0x70]  }
0xcd: {  	v8 =	vor.u32 s31, v3;
	[tilespmem:v19+s25+$0x0] =	vst.idx.msk $0xffff, v18;
	v5 =	vld [tilespmem:s19+$0xB0]  }
0xce: {  	s21 =	sadd.s32 $0x8, s21;
	s20 =	sadd.s32 $0x7, s18;
	v9 =	vor.u32 s22, v3;
	v6 =	vld [tilespmem:s19+$0xFFFFFF30];
	[tilespmem:v21+s25+$0x0] =	vst.idx.msk $0xffff, v20;
	s19 =	sadd.s32 $0x200, s19  }
0xcf: {  	_ =	sdelay $0x3  }
0xd0: {  	s21 =	sadd.s32 $0x1, s18;
	v14 =	vld [tilespmem:s19+$0xC0];
	v15 =	vor.u32 s20, v0;
	[tilespmem:v13+s25+$0x0] =	vst.idx.msk $0xffff, v11  }
0xd1: {  	v11 =	vld [tilespmem:s19+$0xFFFFFF40];
	s22 =	sadd.s32 $0x2, s18;
	v13 =	vor.u32 s21, v0;
	[tilespmem:v12+s25+$0x0] =	vst.idx.msk $0xffff, v7  }
0xd2: {  	s23 =	sadd.s32 $0x3, s18;
	v7 =	vld [tilespmem:s19+$0xFFFFFF80];
	v12 =	vor.u32 s22, v0;
	[tilespmem:v10+s25+$0x0] =	vst.idx.msk $0xffff, v4  }
0xd3: {  	s26 =	sadd.s32 $0x4, s18;
	v4 =	vld [tilespmem:s19+$0xFFFFFFC0];
	v10 =	vor.u32 s23, v0;
	[tilespmem:v8+s25+$0x0] =	vst.idx.msk $0xffff, v5  }
0xd4: {  	s28 =	sadd.s32 $0x5, s18;
	v5 =	vld [tilespmem:s19+$0x0];
	v8 =	vor.u32 s26, v0;
	[tilespmem:v9+s25+$0x0] =	vst.idx.msk $0xffff, v6  }
0xd5: {  	v6 =	vld [tilespmem:s19+$0x40];
	v9 =	vor.u32 s28, v0;
	[tilespmem:v15+s25+$0x0] =	vst.idx.msk $0xffff, v14  }
0xd6: {  	s29 =	sadd.s32 $0x6, s18;
	[tilespmem:v13+s25+$0x0] =	vst.idx.msk $0xffff, v11;
	v11 =	vld [tilespmem:s19+$0xD0];
	v13 =	vor.u32 s20, v1  }
0xd7: {  	[tilespmem:v12+s25+$0x0] =	vst.idx.msk $0xffff, v7;
	v7 =	vld [tilespmem:s19+$0x80];
	v12 =	vor.u32 s29, v0  }
0xd8: {  	v14 =	vld [tilespmem:s19+$0xFFFFFF00];
	v15 =	vor.u32 s18, v0;
	[tilespmem:v10+s25+$0x0] =	vst.idx.msk $0xffff, v4  }
0xd9: {  	v4 =	vld [tilespmem:s19+$0xFFFFFF50];
	v10 =	vor.u32 s21, v1;
	[tilespmem:v8+s25+$0x0] =	vst.idx.msk $0xffff, v5  }
0xda: {  	v5 =	vld [tilespmem:s19+$0xFFFFFF90];
	v8 =	vor.u32 s22, v1;
	[tilespmem:v9+s25+$0x0] =	vst.idx.msk $0xffff, v6  }
0xdb: {  	v6 =	vld [tilespmem:s19+$0xFFFFFFD0];
	v9 =	vor.u32 s23, v1;
	[tilespmem:v13+s25+$0x0] =	vst.idx.msk $0xffff, v11  }
0xdc: {  	[tilespmem:v12+s25+$0x0] =	vst.idx.msk $0xffff, v7;
	v12 =	vld [tilespmem:s19+$0x10];
	v13 =	vor.u32 s26, v1  }
0xdd: {  	[tilespmem:v15+s25+$0x0] =	vst.idx.msk $0xffff, v14;
	v11 =	vor.u32 s20, v2;
	v7 =	vld [tilespmem:s19+$0xE0]  }
0xde: {  	[tilespmem:v10+s25+$0x0] =	vst.idx.msk $0xffff, v4;
	v4 =	vld [tilespmem:s19+$0x50];
	v10 =	vor.u32 s28, v1  }
0xdf: {  	v15 =	vor.u32 s18, v1;
	v14 =	vld [tilespmem:s19+$0xFFFFFF10];
	[tilespmem:v8+s25+$0x0] =	vst.idx.msk $0xffff, v5  }
0xe0: {  	v5 =	vld [tilespmem:s19+$0x90];
	v8 =	vor.u32 s29, v1;
	[tilespmem:v9+s25+$0x0] =	vst.idx.msk $0xffff, v6  }
0xe1: {  	v6 =	vld [tilespmem:s19+$0xFFFFFF60];
	v9 =	vor.u32 s21, v2;
	[tilespmem:v13+s25+$0x0] =	vst.idx.msk $0xffff, v12  }
0xe2: {  	v12 =	vld [tilespmem:s19+$0xFFFFFFA0];
	v13 =	vor.u32 s22, v2;
	[tilespmem:v11+s25+$0x0] =	vst.idx.msk $0xffff, v7  }
0xe3: {  	[tilespmem:v10+s25+$0x0] =	vst.idx.msk $0xffff, v4;
	v4 =	vld [tilespmem:s19+$0xFFFFFFE0];
	v10 =	vor.u32 s23, v2  }
0xe4: {  	[tilespmem:v15+s25+$0x0] =	vst.idx.msk $0xffff, v14;
	v11 =	vor.u32 s20, v3;
	v7 =	vld [tilespmem:s19+$0xF0]  }
0xe5: {  	[tilespmem:v8+s25+$0x0] =	vst.idx.msk $0xffff, v5;
	v5 =	vld [tilespmem:s19+$0x20];
	v8 =	vor.u32 s26, v2  }
0xe6: {  	[tilespmem:v9+s25+$0x0] =	vst.idx.msk $0xffff, v6;
	v6 =	vld [tilespmem:s19+$0x60];
	v9 =	vor.u32 s28, v2  }
0xe7: {  	v15 =	vor.u32 s29, v2;
	v14 =	vld [tilespmem:s19+$0xA0];
	[tilespmem:v13+s25+$0x0] =	vst.idx.msk $0xffff, v12  }
0xe8: {  	v12 =	vld [tilespmem:s19+$0xFFFFFF70];
	v13 =	vor.u32 s21, v3;
	[tilespmem:v10+s25+$0x0] =	vst.idx.msk $0xffff, v4  }
0xe9: {  	[tilespmem:v11+s25+$0x0] =	vst.idx.msk $0xffff, v7;
	v7 =	vld [tilespmem:s19+$0xFFFFFF20];
	v11 =	vor.u32 s18, v2  }
0xea: {  	v4 =	vld [tilespmem:s19+$0xFFFFFFB0];
	v10 =	vor.u32 s22, v3;
	[tilespmem:v8+s25+$0x0] =	vst.idx.msk $0xffff, v5  }
0xeb: {  	v5 =	vld [tilespmem:s19+$0xFFFFFFF0];
	v8 =	vor.u32 s23, v3;
	[tilespmem:v9+s25+$0x0] =	vst.idx.msk $0xffff, v6  }
0xec: {  	v6 =	vld [tilespmem:s19+$0x30];
	v9 =	vor.u32 s26, v3;
	[tilespmem:v15+s25+$0x0] =	vst.idx.msk $0xffff, v14  }
0xed: {  	[tilespmem:v13+s25+$0x0] =	vst.idx.msk $0xffff, v12;
	v12 =	vld [tilespmem:s19+$0xB0];
	v13 =	vor.u32 s29, v3  }
0xee: {  	[tilespmem:v11+s25+$0x0] =	vst.idx.msk $0xffff, v7;
	v7 =	vld [tilespmem:s19+$0x70];
	v11 =	vor.u32 s28, v3  }
0xef: {  	v15 =	vor.u32 s18, v3;
	[tilespmem:v10+s25+$0x0] =	vst.idx.msk $0xffff, v4;
	v14 =	vld [tilespmem:s19+$0xFFFFFF30]  }
0xf0: {  	[tilespmem:v8+s25+$0x0] =	vst.idx.msk $0xffff, v5  }
0xf1: {  	[tilespmem:v9+s25+$0x0] =	vst.idx.msk $0xffff, v6  }
0xf2: {  	[tilespmem:v13+s25+$0x0] =	vst.idx.msk $0xffff, v12  }
0xf3: {  	[tilespmem:v11+s25+$0x0] =	vst.idx.msk $0xffff, v7  }
0xf4: {  	[tilespmem:v15+s25+$0x0] =	vst.idx.msk $0xffff, v14  }
0xf5: {  	_ =	swait.ge [sflag:s24], $0x2000  }
0xf6: {  	[sflag:s24] =	ssyncset.done $0x0  }
0xf7: {  	s22 =	simm.s32 $0x407;
	s18 =	simm.s32 $0x25F0;
	[sflag:s24] =	ssyncadd.s32 $0xFFFFE000  }
0xf8: {  	s20 =	simm.s32 $0x400;
	v5 =	vor.u32 s22, v0;
	v4 =	vld [tilespmem:s18+$0xFFFFFFD0]  }
0xf9: {  	s21 =	simm.s32 $0x401;
	v7 =	vor.u32 s20, v0;
	v6 =	vld [tilespmem:s18+$0xFFFFFE10]  }
0xfa: {  	s26 =	simm.s32 $0x402;
	v9 =	vor.u32 s21, v0;
	v8 =	vld [tilespmem:s18+$0xFFFFFE50]  }
0xfb: {  	s23 =	simm.s32 $0x403;
	v11 =	vor.u32 s26, v0;
	v10 =	vld [tilespmem:s18+$0xFFFFFE90]  }
0xfc: {  	s30 =	simm.s32 $0x404;
	v13 =	vor.u32 s23, v0;
	v12 =	vld [tilespmem:s18+$0xFFFFFED0]  }
0xfd: {  	s31 =	simm.s32 $0x405;
	v15 =	vor.u32 s30, v0;
	v14 =	vld [tilespmem:s18+$0xFFFFFF10];
	[tilespmem:v5+s25+$0x0] =	vst.idx.msk $0xffff, v4  }
0xfe: {  	s19 =	simm.s32 $0x406;
	[tilespmem:v7+s25+$0x0] =	vst.idx.msk $0xffff, v6;
	v6 =	vld [tilespmem:s18+$0xFFFFFF50];
	v7 =	vor.u32 s31, v0  }
0xff: {  	[tilespmem:v9+s25+$0x0] =	vst.idx.msk $0xffff, v8;
	v8 =	vld [tilespmem:s18+$0xFFFFFF90];
	v9 =	vor.u32 s19, v0  }
0x100: {  	v5 =	vor.u32 s22, v1;
	[tilespmem:v11+s25+$0x0] =	vst.idx.msk $0xffff, v10;
	v4 =	vld [tilespmem:s18+$0xFFFFFFE0]  }
0x101: {  	v11 =	vor.u32 s20, v1;
	[tilespmem:v13+s25+$0x0] =	vst.idx.msk $0xffff, v12;
	v10 =	vld [tilespmem:s18+$0xFFFFFE20]  }
0x102: {  	v13 =	vor.u32 s21, v1;
	[tilespmem:v15+s25+$0x0] =	vst.idx.msk $0xffff, v14;
	v12 =	vld [tilespmem:s18+$0xFFFFFE60]  }
0x103: {  	v15 =	vor.u32 s26, v1;
	v14 =	vld [tilespmem:s18+$0xFFFFFEA0];
	[tilespmem:v7+s25+$0x0] =	vst.idx.msk $0xffff, v6  }
0x104: {  	v6 =	vld [tilespmem:s18+$0xFFFFFEE0];
	v7 =	vor.u32 s23, v1;
	[tilespmem:v9+s25+$0x0] =	vst.idx.msk $0xffff, v8  }
0x105: {  	v8 =	vld [tilespmem:s18+$0xFFFFFF20];
	v9 =	vor.u32 s30, v1;
	[tilespmem:v5+s25+$0x0] =	vst.idx.msk $0xffff, v4  }
0x106: {  	[tilespmem:v11+s25+$0x0] =	vst.idx.msk $0xffff, v10;
	v10 =	vld [tilespmem:s18+$0xFFFFFF60];
	v11 =	vor.u32 s31, v1  }
0x107: {  	[tilespmem:v13+s25+$0x0] =	vst.idx.msk $0xffff, v12;
	v12 =	vld [tilespmem:s18+$0xFFFFFFA0];
	v13 =	vor.u32 s19, v1  }
0x108: {  	v5 =	vor.u32 s22, v2;
	[tilespmem:v15+s25+$0x0] =	vst.idx.msk $0xffff, v14;
	v4 =	vld [tilespmem:s18+$0xFFFFFFF0]  }
0x109: {  	v15 =	vor.u32 s20, v2;
	v14 =	vld [tilespmem:s18+$0xFFFFFE30];
	[tilespmem:v7+s25+$0x0] =	vst.idx.msk $0xffff, v6  }
0x10a: {  	v6 =	vld [tilespmem:s18+$0xFFFFFE70];
	v7 =	vor.u32 s21, v2;
	[tilespmem:v9+s25+$0x0] =	vst.idx.msk $0xffff, v8  }
0x10b: {  	v8 =	vld [tilespmem:s18+$0xFFFFFEB0];
	v9 =	vor.u32 s26, v2;
	[tilespmem:v11+s25+$0x0] =	vst.idx.msk $0xffff, v10  }
0x10c: {  	v16 =	vor.u32 s23, v2;
	v10 =	vld [tilespmem:s18+$0xFFFFFEF0];
	[tilespmem:v13+s25+$0x0] =	vst.idx.msk $0xffff, v12  }
0x10d: {  	v12 =	vld [tilespmem:s18+$0xFFFFFF30];
	v13 =	vor.u32 s30, v2;
	[tilespmem:v5+s25+$0x0] =	vst.idx.msk $0xffff, v4  }
0x10e: {  	[tilespmem:v15+s25+$0x0] =	vst.idx.msk $0xffff, v14;
	v14 =	vld [tilespmem:s18+$0xFFFFFF70];
	v15 =	vor.u32 s31, v2  }
0x10f: {  	v5 =	vor.u32 s22, v3;
	v4 =	vld [tilespmem:s18+$0x0];
	[tilespmem:v7+s25+$0x0] =	vst.idx.msk $0xffff, v6  }
0x110: {  	v18 =	vor.u32 s19, v2;
	v17 =	vld [tilespmem:s18+$0xFFFFFFB0];
	[tilespmem:v9+s25+$0x0] =	vst.idx.msk $0xffff, v8  }
0x111: {  	v20 =	vor.u32 s20, v3;
	v19 =	vld [tilespmem:s18+$0xFFFFFE40];
	[tilespmem:v16+s25+$0x0] =	vst.idx.msk $0xffff, v10  }
0x112: {  	v11 =	vld [tilespmem:s18+$0xFFFFFE80];
	[tilespmem:v13+s25+$0x0] =	vst.idx.msk $0xffff, v12  }
0x113: {  	v13 =	vor.u32 s21, v3;
	[tilespmem:v15+s25+$0x0] =	vst.idx.msk $0xffff, v14;
	v6 =	vld [tilespmem:s18+$0xFFFFFF40]  }
0x114: {  	v8 =	vor.u32 s26, v3;
	[tilespmem:v5+s25+$0x0] =	vst.idx.msk $0xffff, v4;
	v4 =	vld [tilespmem:s18+$0xFFFFFEC0]  }
0x115: {  	v7 =	vor.u32 s23, v3;
	[tilespmem:v18+s25+$0x0] =	vst.idx.msk $0xffff, v17;
	v5 =	vld [tilespmem:s18+$0xFFFFFF00]  }
0x116: {  	s20 =	simm.s32 $0x0;
	v9 =	vor.u32 s30, v3;
	v12 =	vor.u32 s31, v3;
	[tilespmem:v20+s25+$0x0] =	vst.idx.msk $0xffff, v19;
	v10 =	vld [tilespmem:s18+$0xFFFFFF80]  }
.LBB2_4:
0x117: {  	s30 =	sadd.s32 $0x40F, s20  }
0x118: {  	[tilespmem:v13+s25+$0x0] =	vst.idx.msk $0xffff, v11;
	v11 =	vld [tilespmem:s18+$0xFFFFFFC0];
	v13 =	vor.u32 s19, v3;
	s18 =	sadd.s32 $0x200, s18;
	s19 =	smov.u32 s20;
	s20 =	sadd.s32 $0x8, s20  }
0x119: {  	s21 =	sadd.s32 $0x408, s19;
	v14 =	vld [tilespmem:s18+$0xFFFFFFD0];
	v15 =	vor.u32 s30, v0;
	p0 =	slt.u32 s20, $0x78;
	[tilespmem:v8+s25+$0x0] =	vst.idx.msk $0xffff, v4  }
0x11a: {  	s22 =	sadd.s32 $0x409, s19;
	v4 =	vld [tilespmem:s18+$0xFFFFFE10];
	v8 =	vor.u32 s21, v0;
	[tilespmem:v7+s25+$0x0] =	vst.idx.msk $0xffff, v5  }
0x11b: {  	s23 =	sadd.s32 $0x40A, s19;
	v7 =	vor.u32 s22, v0;
	v5 =	vld [tilespmem:s18+$0xFFFFFE50];
	[tilespmem:v9+s25+$0x0] =	vst.idx.msk $0xffff, v6  }
0x11c: {  	s26 =	sadd.s32 $0x40B, s19;
	v9 =	vor.u32 s23, v0;
	v6 =	vld [tilespmem:s18+$0xFFFFFE90];
	[tilespmem:v12+s25+$0x0] =	vst.idx.msk $0xffff, v10  }
0x11d: {  	s28 =	sadd.s32 $0x40C, s19;
	v12 =	vor.u32 s26, v0;
	v10 =	vld [tilespmem:s18+$0xFFFFFED0];
	[tilespmem:v13+s25+$0x0] =	vst.idx.msk $0xffff, v11  }
0x11e: {  	v13 =	vor.u32 s28, v0;
	v11 =	vld [tilespmem:s18+$0xFFFFFF10];
	[tilespmem:v15+s25+$0x0] =	vst.idx.msk $0xffff, v14  }
0x11f: {  	s29 =	sadd.s32 $0x40D, s19;
	[tilespmem:v8+s25+$0x0] =	vst.idx.msk $0xffff, v4;
	v4 =	vld [tilespmem:s18+$0xFFFFFFE0];
	v8 =	vor.u32 s30, v1  }
0x120: {  	s19 =	sadd.s32 $0x40E, s19;
	[tilespmem:v7+s25+$0x0] =	vst.idx.msk $0xffff, v5;
	v5 =	vld [tilespmem:s18+$0xFFFFFF50];
	v7 =	vor.u32 s29, v0  }
0x121: {  	[tilespmem:v9+s25+$0x0] =	vst.idx.msk $0xffff, v6;
	v6 =	vld [tilespmem:s18+$0xFFFFFF90];
	v9 =	vor.u32 s19, v0  }
0x122: {  	v15 =	vor.u32 s21, v1;
	v14 =	vld [tilespmem:s18+$0xFFFFFE20];
	[tilespmem:v12+s25+$0x0] =	vst.idx.msk $0xffff, v10  }
0x123: {  	v12 =	vor.u32 s22, v1;
	v10 =	vld [tilespmem:s18+$0xFFFFFE60];
	[tilespmem:v13+s25+$0x0] =	vst.idx.msk $0xffff, v11  }
0x124: {  	v13 =	vor.u32 s23, v1;
	v11 =	vld [tilespmem:s18+$0xFFFFFEA0];
	[tilespmem:v8+s25+$0x0] =	vst.idx.msk $0xffff, v4  }
0x125: {  	[tilespmem:v7+s25+$0x0] =	vst.idx.msk $0xffff, v5;
	v4 =	vld [tilespmem:s18+$0xFFFFFFF0];
	v5 =	vor.u32 s30, v2  }
0x126: {  	v8 =	vor.u32 s26, v1;
	v7 =	vld [tilespmem:s18+$0xFFFFFEE0];
	[tilespmem:v9+s25+$0x0] =	vst.idx.msk $0xffff, v6  }
0x127: {  	v9 =	vor.u32 s28, v1;
	[tilespmem:v15+s25+$0x0] =	vst.idx.msk $0xffff, v14;
	v6 =	vld [tilespmem:s18+$0xFFFFFF20]  }
0x128: {  	[tilespmem:v12+s25+$0x0] =	vst.idx.msk $0xffff, v10;
	v10 =	vld [tilespmem:s18+$0xFFFFFF60];
	v12 =	vor.u32 s29, v1  }
0x129: {  	[tilespmem:v13+s25+$0x0] =	vst.idx.msk $0xffff, v11;
	v11 =	vld [tilespmem:s18+$0xFFFFFFA0];
	v13 =	vor.u32 s19, v1  }
0x12a: {  	v15 =	vor.u32 s21, v2;
	v14 =	vld [tilespmem:s18+$0xFFFFFE30];
	[tilespmem:v5+s25+$0x0] =	vst.idx.msk $0xffff, v4  }
0x12b: {  	v5 =	vor.u32 s30, v3;
	[tilespmem:v8+s25+$0x0] =	vst.idx.msk $0xffff, v7;
	v4 =	vld [tilespmem:s18+$0x0]  }
0x12c: {  	v8 =	vor.u32 s22, v2;
	v7 =	vld [tilespmem:s18+$0xFFFFFE70];
	[tilespmem:v9+s25+$0x0] =	vst.idx.msk $0xffff, v6  }
0x12d: {  	v9 =	vor.u32 s23, v2;
	v6 =	vld [tilespmem:s18+$0xFFFFFEB0];
	[tilespmem:v12+s25+$0x0] =	vst.idx.msk $0xffff, v10  }
0x12e: {  	v12 =	vor.u32 s26, v2;
	v10 =	vld [tilespmem:s18+$0xFFFFFEF0];
	[tilespmem:v13+s25+$0x0] =	vst.idx.msk $0xffff, v11  }
0x12f: {  	[tilespmem:v15+s25+$0x0] =	vst.idx.msk $0xffff, v14;
	v14 =	vld [tilespmem:s18+$0xFFFFFF30];
	v15 =	vor.u32 s28, v2  }
0x130: {  	v17 =	vor.u32 s29, v2;
	v16 =	vld [tilespmem:s18+$0xFFFFFF70];
	[tilespmem:v5+s25+$0x0] =	vst.idx.msk $0xffff, v4  }
0x131: {  	v19 =	vor.u32 s19, v2;
	[tilespmem:v8+s25+$0x0] =	vst.idx.msk $0xffff, v7;
	v18 =	vld [tilespmem:s18+$0xFFFFFFB0]  }
0x132: {  	v21 =	vor.u32 s21, v3;
	v20 =	vld [tilespmem:s18+$0xFFFFFE40];
	[tilespmem:v9+s25+$0x0] =	vst.idx.msk $0xffff, v6  }
.Ltmp1:
0x133: {  	v13 =	vor.u32 s22, v3;
	v11 =	vld [tilespmem:s18+$0xFFFFFE80];
	[tilespmem:v12+s25+$0x0] =	vst.idx.msk $0xffff, v10;
	(pc) =	sbr.rel @p0 .LBB2_4-.Ltmp1, $4  }
0x134: {  	v8 =	vor.u32 s23, v3;
	v4 =	vld [tilespmem:s18+$0xFFFFFEC0];
	[tilespmem:v15+s25+$0x0] =	vst.idx.msk $0xffff, v14  }
0x135: {  	v7 =	vor.u32 s26, v3;
	v5 =	vld [tilespmem:s18+$0xFFFFFF00];
	[tilespmem:v17+s25+$0x0] =	vst.idx.msk $0xffff, v16  }
0x136: {  	v9 =	vor.u32 s28, v3;
	v6 =	vld [tilespmem:s18+$0xFFFFFF40];
	[tilespmem:v19+s25+$0x0] =	vst.idx.msk $0xffff, v18  }
0x137: {  	v12 =	vor.u32 s29, v3;
	[tilespmem:v21+s25+$0x0] =	vst.idx.msk $0xffff, v20;
	v10 =	vld [tilespmem:s18+$0xFFFFFF80]  }
0x138: {  	_ =	sdelay $0x3  }
0x139: {  	[tilespmem:v13+s25+$0x0] =	vst.idx.msk $0xffff, v11;
	v11 =	vld [tilespmem:s18+$0xFFFFFFC0];
	v13 =	vor.u32 s19, v3  }
0x13a: {  	[tilespmem:v8+s25+$0x0] =	vst.idx.msk $0xffff, v4  }
0x13b: {  	[tilespmem:v7+s25+$0x0] =	vst.idx.msk $0xffff, v5  }
0x13c: {  	[tilespmem:v9+s25+$0x0] =	vst.idx.msk $0xffff, v6  }
0x13d: {  	[tilespmem:v12+s25+$0x0] =	vst.idx.msk $0xffff, v10  }
0x13e: {  	[tilespmem:v13+s25+$0x0] =	vst.idx.msk $0xffff, v11  }
0x13f: {  	_ =	swait.ge [sflag:s24], $0x2000  }
0x140: {  	[sflag:s24] =	ssyncset.done $0x0  }
0x141: {  	s18 =	simm.s32 $0x4400;
	s29 =	simm.s32 $0x807;
	[sflag:s24] =	ssyncadd.s32 $0xFFFFE000  }
0x142: {  	s22 =	simm.s32 $0x800;
	v5 =	vor.u32 s29, v0;
	v4 =	vld [tilespmem:s18+$0x1C0]  }
0x143: {  	s20 =	simm.s32 $0x801;
	v7 =	vor.u32 s22, v0;
	v6 =	vld [tilespmem:s18+$0x0]  }
0x144: {  	s21 =	simm.s32 $0x802;
	v9 =	vor.u32 s20, v0;
	v8 =	vld [tilespmem:s18+$0x40]  }
0x145: {  	s26 =	simm.s32 $0x803;
	v11 =	vor.u32 s21, v0;
	v10 =	vld [tilespmem:s18+$0x80]  }
0x146: {  	s23 =	simm.s32 $0x804;
	v13 =	vor.u32 s26, v0;
	v12 =	vld [tilespmem:s18+$0xC0]  }
0x147: {  	s28 =	simm.s32 $0x805;
	v15 =	vor.u32 s23, v0;
	v14 =	vld [tilespmem:s18+$0x100];
	[tilespmem:v5+s25+$0x0] =	vst.idx.msk $0xffff, v4  }
0x148: {  	s19 =	simm.s32 $0x806;
	[tilespmem:v7+s25+$0x0] =	vst.idx.msk $0xffff, v6;
	v6 =	vld [tilespmem:s18+$0x140];
	v7 =	vor.u32 s28, v0  }
0x149: {  	[tilespmem:v9+s25+$0x0] =	vst.idx.msk $0xffff, v8;
	v8 =	vld [tilespmem:s18+$0x180];
	v9 =	vor.u32 s19, v0  }
0x14a: {  	v5 =	vor.u32 s29, v1;
	[tilespmem:v11+s25+$0x0] =	vst.idx.msk $0xffff, v10;
	v4 =	vld [tilespmem:s18+$0x1D0]  }
0x14b: {  	v11 =	vor.u32 s22, v1;
	[tilespmem:v13+s25+$0x0] =	vst.idx.msk $0xffff, v12;
	v10 =	vld [tilespmem:s18+$0x10]  }
0x14c: {  	v13 =	vor.u32 s20, v1;
	[tilespmem:v15+s25+$0x0] =	vst.idx.msk $0xffff, v14;
	v12 =	vld [tilespmem:s18+$0x50]  }
0x14d: {  	v15 =	vor.u32 s21, v1;
	v14 =	vld [tilespmem:s18+$0x90];
	[tilespmem:v7+s25+$0x0] =	vst.idx.msk $0xffff, v6  }
0x14e: {  	v6 =	vld [tilespmem:s18+$0xD0];
	v7 =	vor.u32 s26, v1;
	[tilespmem:v9+s25+$0x0] =	vst.idx.msk $0xffff, v8  }
0x14f: {  	v8 =	vld [tilespmem:s18+$0x110];
	v9 =	vor.u32 s23, v1;
	[tilespmem:v5+s25+$0x0] =	vst.idx.msk $0xffff, v4  }
0x150: {  	[tilespmem:v11+s25+$0x0] =	vst.idx.msk $0xffff, v10;
	v10 =	vld [tilespmem:s18+$0x150];
	v11 =	vor.u32 s28, v1  }
0x151: {  	[tilespmem:v13+s25+$0x0] =	vst.idx.msk $0xffff, v12;
	v12 =	vld [tilespmem:s18+$0x190];
	v13 =	vor.u32 s19, v1  }
0x152: {  	v5 =	vor.u32 s29, v2;
	[tilespmem:v15+s25+$0x0] =	vst.idx.msk $0xffff, v14;
	v4 =	vld [tilespmem:s18+$0x1E0]  }
0x153: {  	v15 =	vor.u32 s22, v2;
	v14 =	vld [tilespmem:s18+$0x20];
	[tilespmem:v7+s25+$0x0] =	vst.idx.msk $0xffff, v6  }
0x154: {  	v6 =	vld [tilespmem:s18+$0x60];
	v7 =	vor.u32 s20, v2;
	[tilespmem:v9+s25+$0x0] =	vst.idx.msk $0xffff, v8  }
0x155: {  	v8 =	vld [tilespmem:s18+$0xA0];
	v9 =	vor.u32 s21, v2;
	[tilespmem:v11+s25+$0x0] =	vst.idx.msk $0xffff, v10  }
0x156: {  	v16 =	vor.u32 s26, v2;
	v10 =	vld [tilespmem:s18+$0xE0];
	[tilespmem:v13+s25+$0x0] =	vst.idx.msk $0xffff, v12  }
0x157: {  	v12 =	vld [tilespmem:s18+$0x120];
	v13 =	vor.u32 s23, v2;
	[tilespmem:v5+s25+$0x0] =	vst.idx.msk $0xffff, v4  }
0x158: {  	[tilespmem:v15+s25+$0x0] =	vst.idx.msk $0xffff, v14;
	v14 =	vld [tilespmem:s18+$0x160];
	v15 =	vor.u32 s28, v2  }
0x159: {  	v5 =	vor.u32 s29, v3;
	v4 =	vld [tilespmem:s18+$0x1F0];
	[tilespmem:v7+s25+$0x0] =	vst.idx.msk $0xffff, v6  }
0x15a: {  	v18 =	vor.u32 s19, v2;
	v17 =	vld [tilespmem:s18+$0x1A0];
	[tilespmem:v9+s25+$0x0] =	vst.idx.msk $0xffff, v8  }
0x15b: {  	v20 =	vor.u32 s22, v3;
	v19 =	vld [tilespmem:s18+$0x30];
	[tilespmem:v16+s25+$0x0] =	vst.idx.msk $0xffff, v10  }
0x15c: {  	v11 =	vld [tilespmem:s18+$0x70];
	[tilespmem:v13+s25+$0x0] =	vst.idx.msk $0xffff, v12  }
0x15d: {  	v13 =	vor.u32 s20, v3;
	[tilespmem:v15+s25+$0x0] =	vst.idx.msk $0xffff, v14;
	v6 =	vld [tilespmem:s18+$0x130]  }
0x15e: {  	v8 =	vor.u32 s21, v3;
	[tilespmem:v5+s25+$0x0] =	vst.idx.msk $0xffff, v4;
	v4 =	vld [tilespmem:s18+$0xB0]  }
0x15f: {  	v7 =	vor.u32 s26, v3;
	[tilespmem:v18+s25+$0x0] =	vst.idx.msk $0xffff, v17;
	v5 =	vld [tilespmem:s18+$0xF0]  }
0x160: {  	v9 =	vor.u32 s23, v3;
	s20 =	simm.s32 $0x0;
	v12 =	vor.u32 s28, v3;
	[tilespmem:v20+s25+$0x0] =	vst.idx.msk $0xffff, v19;
	v10 =	vld [tilespmem:s18+$0x170]  }
.LBB2_6:
0x161: {  	s30 =	sadd.s32 $0x80F, s20  }
0x162: {  	[tilespmem:v13+s25+$0x0] =	vst.idx.msk $0xffff, v11;
	v11 =	vld [tilespmem:s18+$0x1B0];
	v13 =	vor.u32 s19, v3;
	s18 =	sadd.s32 $0x200, s18;
	s19 =	smov.u32 s20;
	s20 =	sadd.s32 $0x8, s20  }
0x163: {  	s21 =	sadd.s32 $0x808, s19;
	v14 =	vld [tilespmem:s18+$0x1C0];
	v15 =	vor.u32 s30, v0;
	p0 =	slt.u32 s20, $0x78;
	[tilespmem:v8+s25+$0x0] =	vst.idx.msk $0xffff, v4  }
0x164: {  	s22 =	sadd.s32 $0x809, s19;
	v4 =	vld [tilespmem:s18+$0x0];
	v8 =	vor.u32 s21, v0;
	[tilespmem:v7+s25+$0x0] =	vst.idx.msk $0xffff, v5  }
0x165: {  	s23 =	sadd.s32 $0x80A, s19;
	v7 =	vor.u32 s22, v0;
	v5 =	vld [tilespmem:s18+$0x40];
	[tilespmem:v9+s25+$0x0] =	vst.idx.msk $0xffff, v6  }
0x166: {  	s26 =	sadd.s32 $0x80B, s19;
	v9 =	vor.u32 s23, v0;
	v6 =	vld [tilespmem:s18+$0x80];
	[tilespmem:v12+s25+$0x0] =	vst.idx.msk $0xffff, v10  }
0x167: {  	s28 =	sadd.s32 $0x80C, s19;
	v12 =	vor.u32 s26, v0;
	v10 =	vld [tilespmem:s18+$0xC0];
	[tilespmem:v13+s25+$0x0] =	vst.idx.msk $0xffff, v11  }
0x168: {  	v13 =	vor.u32 s28, v0;
	v11 =	vld [tilespmem:s18+$0x100];
	[tilespmem:v15+s25+$0x0] =	vst.idx.msk $0xffff, v14  }
0x169: {  	s29 =	sadd.s32 $0x80D, s19;
	[tilespmem:v8+s25+$0x0] =	vst.idx.msk $0xffff, v4;
	v4 =	vld [tilespmem:s18+$0x1D0];
	v8 =	vor.u32 s30, v1  }
0x16a: {  	s19 =	sadd.s32 $0x80E, s19;
	[tilespmem:v7+s25+$0x0] =	vst.idx.msk $0xffff, v5;
	v5 =	vld [tilespmem:s18+$0x140];
	v7 =	vor.u32 s29, v0  }
0x16b: {  	[tilespmem:v9+s25+$0x0] =	vst.idx.msk $0xffff, v6;
	v6 =	vld [tilespmem:s18+$0x180];
	v9 =	vor.u32 s19, v0  }
0x16c: {  	v15 =	vor.u32 s21, v1;
	v14 =	vld [tilespmem:s18+$0x10];
	[tilespmem:v12+s25+$0x0] =	vst.idx.msk $0xffff, v10  }
0x16d: {  	v12 =	vor.u32 s22, v1;
	v10 =	vld [tilespmem:s18+$0x50];
	[tilespmem:v13+s25+$0x0] =	vst.idx.msk $0xffff, v11  }
0x16e: {  	v13 =	vor.u32 s23, v1;
	v11 =	vld [tilespmem:s18+$0x90];
	[tilespmem:v8+s25+$0x0] =	vst.idx.msk $0xffff, v4  }
0x16f: {  	[tilespmem:v7+s25+$0x0] =	vst.idx.msk $0xffff, v5;
	v4 =	vld [tilespmem:s18+$0x1E0];
	v5 =	vor.u32 s30, v2  }
0x170: {  	v8 =	vor.u32 s26, v1;
	v7 =	vld [tilespmem:s18+$0xD0];
	[tilespmem:v9+s25+$0x0] =	vst.idx.msk $0xffff, v6  }
0x171: {  	v9 =	vor.u32 s28, v1;
	[tilespmem:v15+s25+$0x0] =	vst.idx.msk $0xffff, v14;
	v6 =	vld [tilespmem:s18+$0x110]  }
0x172: {  	[tilespmem:v12+s25+$0x0] =	vst.idx.msk $0xffff, v10;
	v10 =	vld [tilespmem:s18+$0x150];
	v12 =	vor.u32 s29, v1  }
0x173: {  	[tilespmem:v13+s25+$0x0] =	vst.idx.msk $0xffff, v11;
	v11 =	vld [tilespmem:s18+$0x190];
	v13 =	vor.u32 s19, v1  }
0x174: {  	v15 =	vor.u32 s21, v2;
	v14 =	vld [tilespmem:s18+$0x20];
	[tilespmem:v5+s25+$0x0] =	vst.idx.msk $0xffff, v4  }
0x175: {  	v5 =	vor.u32 s30, v3;
	[tilespmem:v8+s25+$0x0] =	vst.idx.msk $0xffff, v7;
	v4 =	vld [tilespmem:s18+$0x1F0]  }
0x176: {  	v8 =	vor.u32 s22, v2;
	v7 =	vld [tilespmem:s18+$0x60];
	[tilespmem:v9+s25+$0x0] =	vst.idx.msk $0xffff, v6  }
0x177: {  	v9 =	vor.u32 s23, v2;
	v6 =	vld [tilespmem:s18+$0xA0];
	[tilespmem:v12+s25+$0x0] =	vst.idx.msk $0xffff, v10  }
0x178: {  	v12 =	vor.u32 s26, v2;
	v10 =	vld [tilespmem:s18+$0xE0];
	[tilespmem:v13+s25+$0x0] =	vst.idx.msk $0xffff, v11  }
0x179: {  	[tilespmem:v15+s25+$0x0] =	vst.idx.msk $0xffff, v14;
	v14 =	vld [tilespmem:s18+$0x120];
	v15 =	vor.u32 s28, v2  }
0x17a: {  	v17 =	vor.u32 s29, v2;
	v16 =	vld [tilespmem:s18+$0x160];
	[tilespmem:v5+s25+$0x0] =	vst.idx.msk $0xffff, v4  }
0x17b: {  	v19 =	vor.u32 s19, v2;
	[tilespmem:v8+s25+$0x0] =	vst.idx.msk $0xffff, v7;
	v18 =	vld [tilespmem:s18+$0x1A0]  }
0x17c: {  	v21 =	vor.u32 s21, v3;
	v20 =	vld [tilespmem:s18+$0x30];
	[tilespmem:v9+s25+$0x0] =	vst.idx.msk $0xffff, v6  }
.Ltmp2:
0x17d: {  	v13 =	vor.u32 s22, v3;
	v11 =	vld [tilespmem:s18+$0x70];
	[tilespmem:v12+s25+$0x0] =	vst.idx.msk $0xffff, v10;
	(pc) =	sbr.rel @p0 .LBB2_6-.Ltmp2, $4  }
0x17e: {  	v8 =	vor.u32 s23, v3;
	v4 =	vld [tilespmem:s18+$0xB0];
	[tilespmem:v15+s25+$0x0] =	vst.idx.msk $0xffff, v14  }
0x17f: {  	v7 =	vor.u32 s26, v3;
	v5 =	vld [tilespmem:s18+$0xF0];
	[tilespmem:v17+s25+$0x0] =	vst.idx.msk $0xffff, v16  }
0x180: {  	v9 =	vor.u32 s28, v3;
	v6 =	vld [tilespmem:s18+$0x130];
	[tilespmem:v19+s25+$0x0] =	vst.idx.msk $0xffff, v18  }
0x181: {  	v12 =	vor.u32 s29, v3;
	[tilespmem:v21+s25+$0x0] =	vst.idx.msk $0xffff, v20;
	v10 =	vld [tilespmem:s18+$0x170]  }
0x182: {  	_ =	sdelay $0x3  }
0x183: {  	[tilespmem:v13+s25+$0x0] =	vst.idx.msk $0xffff, v11;
	v11 =	vld [tilespmem:s18+$0x1B0];
	v13 =	vor.u32 s19, v3  }
0x184: {  	[tilespmem:v8+s25+$0x0] =	vst.idx.msk $0xffff, v4  }
0x185: {  	[tilespmem:v7+s25+$0x0] =	vst.idx.msk $0xffff, v5  }
0x186: {  	[tilespmem:v9+s25+$0x0] =	vst.idx.msk $0xffff, v6  }
0x187: {  	[tilespmem:v12+s25+$0x0] =	vst.idx.msk $0xffff, v10  }
0x188: {  	[tilespmem:v13+s25+$0x0] =	vst.idx.msk $0xffff, v11  }
0x189: {  	_ =	swait.ge [sflag:s24], $0x2000  }
0x18a: {  	[sflag:s24] =	ssyncset.done $0x0  }
0x18b: {  	s18 =	simm.s32 $0x6400;
	s29 =	simm.s32 $0xC07;
	[sflag:s24] =	ssyncadd.s32 $0xFFFFE000  }
0x18c: {  	s22 =	simm.s32 $0xC00;
	v5 =	vor.u32 s29, v0;
	v4 =	vld [tilespmem:s18+$0x1C0]  }
0x18d: {  	s20 =	simm.s32 $0xC01;
	v7 =	vor.u32 s22, v0;
	v6 =	vld [tilespmem:s18+$0x0]  }
0x18e: {  	s21 =	simm.s32 $0xC02;
	v9 =	vor.u32 s20, v0;
	v8 =	vld [tilespmem:s18+$0x40]  }
0x18f: {  	s26 =	simm.s32 $0xC03;
	v11 =	vor.u32 s21, v0;
	v10 =	vld [tilespmem:s18+$0x80]  }
0x190: {  	s23 =	simm.s32 $0xC04;
	v13 =	vor.u32 s26, v0;
	v12 =	vld [tilespmem:s18+$0xC0]  }
0x191: {  	s28 =	simm.s32 $0xC05;
	v15 =	vor.u32 s23, v0;
	v14 =	vld [tilespmem:s18+$0x100];
	[tilespmem:v5+s25+$0x0] =	vst.idx.msk $0xffff, v4  }
0x192: {  	s19 =	simm.s32 $0xC06;
	[tilespmem:v7+s25+$0x0] =	vst.idx.msk $0xffff, v6;
	v6 =	vld [tilespmem:s18+$0x140];
	v7 =	vor.u32 s28, v0  }
0x193: {  	[tilespmem:v9+s25+$0x0] =	vst.idx.msk $0xffff, v8;
	v8 =	vld [tilespmem:s18+$0x180];
	v9 =	vor.u32 s19, v0  }
0x194: {  	v5 =	vor.u32 s29, v1;
	[tilespmem:v11+s25+$0x0] =	vst.idx.msk $0xffff, v10;
	v4 =	vld [tilespmem:s18+$0x1D0]  }
0x195: {  	v11 =	vor.u32 s22, v1;
	[tilespmem:v13+s25+$0x0] =	vst.idx.msk $0xffff, v12;
	v10 =	vld [tilespmem:s18+$0x10]  }
0x196: {  	v13 =	vor.u32 s20, v1;
	[tilespmem:v15+s25+$0x0] =	vst.idx.msk $0xffff, v14;
	v12 =	vld [tilespmem:s18+$0x50]  }
0x197: {  	v15 =	vor.u32 s21, v1;
	v14 =	vld [tilespmem:s18+$0x90];
	[tilespmem:v7+s25+$0x0] =	vst.idx.msk $0xffff, v6  }
0x198: {  	v6 =	vld [tilespmem:s18+$0xD0];
	v7 =	vor.u32 s26, v1;
	[tilespmem:v9+s25+$0x0] =	vst.idx.msk $0xffff, v8  }
0x199: {  	v8 =	vld [tilespmem:s18+$0x110];
	v9 =	vor.u32 s23, v1;
	[tilespmem:v5+s25+$0x0] =	vst.idx.msk $0xffff, v4  }
0x19a: {  	[tilespmem:v11+s25+$0x0] =	vst.idx.msk $0xffff, v10;
	v10 =	vld [tilespmem:s18+$0x150];
	v11 =	vor.u32 s28, v1  }
0x19b: {  	[tilespmem:v13+s25+$0x0] =	vst.idx.msk $0xffff, v12;
	v12 =	vld [tilespmem:s18+$0x190];
	v13 =	vor.u32 s19, v1  }
0x19c: {  	v5 =	vor.u32 s29, v2;
	[tilespmem:v15+s25+$0x0] =	vst.idx.msk $0xffff, v14;
	v4 =	vld [tilespmem:s18+$0x1E0]  }
0x19d: {  	v15 =	vor.u32 s22, v2;
	v14 =	vld [tilespmem:s18+$0x20];
	[tilespmem:v7+s25+$0x0] =	vst.idx.msk $0xffff, v6  }
0x19e: {  	v6 =	vld [tilespmem:s18+$0x60];
	v7 =	vor.u32 s20, v2;
	[tilespmem:v9+s25+$0x0] =	vst.idx.msk $0xffff, v8  }
0x19f: {  	v8 =	vld [tilespmem:s18+$0xA0];
	v9 =	vor.u32 s21, v2;
	[tilespmem:v11+s25+$0x0] =	vst.idx.msk $0xffff, v10  }
0x1a0: {  	v16 =	vor.u32 s26, v2;
	v10 =	vld [tilespmem:s18+$0xE0];
	[tilespmem:v13+s25+$0x0] =	vst.idx.msk $0xffff, v12  }
0x1a1: {  	v12 =	vld [tilespmem:s18+$0x120];
	v13 =	vor.u32 s23, v2;
	[tilespmem:v5+s25+$0x0] =	vst.idx.msk $0xffff, v4  }
0x1a2: {  	[tilespmem:v15+s25+$0x0] =	vst.idx.msk $0xffff, v14;
	v14 =	vld [tilespmem:s18+$0x160];
	v15 =	vor.u32 s28, v2  }
0x1a3: {  	v5 =	vor.u32 s29, v3;
	v4 =	vld [tilespmem:s18+$0x1F0];
	[tilespmem:v7+s25+$0x0] =	vst.idx.msk $0xffff, v6  }
0x1a4: {  	v18 =	vor.u32 s19, v2;
	v17 =	vld [tilespmem:s18+$0x1A0];
	[tilespmem:v9+s25+$0x0] =	vst.idx.msk $0xffff, v8  }
0x1a5: {  	v20 =	vor.u32 s22, v3;
	v19 =	vld [tilespmem:s18+$0x30];
	[tilespmem:v16+s25+$0x0] =	vst.idx.msk $0xffff, v10  }
0x1a6: {  	v11 =	vld [tilespmem:s18+$0x70];
	[tilespmem:v13+s25+$0x0] =	vst.idx.msk $0xffff, v12  }
0x1a7: {  	v13 =	vor.u32 s20, v3;
	[tilespmem:v15+s25+$0x0] =	vst.idx.msk $0xffff, v14;
	v6 =	vld [tilespmem:s18+$0x130]  }
0x1a8: {  	v8 =	vor.u32 s21, v3;
	[tilespmem:v5+s25+$0x0] =	vst.idx.msk $0xffff, v4;
	v4 =	vld [tilespmem:s18+$0xB0]  }
0x1a9: {  	v7 =	vor.u32 s26, v3;
	[tilespmem:v18+s25+$0x0] =	vst.idx.msk $0xffff, v17;
	v5 =	vld [tilespmem:s18+$0xF0]  }
0x1aa: {  	v9 =	vor.u32 s23, v3;
	s20 =	simm.s32 $0x0;
	v12 =	vor.u32 s28, v3;
	[tilespmem:v20+s25+$0x0] =	vst.idx.msk $0xffff, v19;
	v10 =	vld [tilespmem:s18+$0x170]  }
.LBB2_8:
0x1ab: {  	s30 =	sadd.s32 $0xC0F, s20  }
0x1ac: {  	[tilespmem:v13+s25+$0x0] =	vst.idx.msk $0xffff, v11;
	v11 =	vld [tilespmem:s18+$0x1B0];
	v13 =	vor.u32 s19, v3;
	s18 =	sadd.s32 $0x200, s18;
	s19 =	smov.u32 s20;
	s20 =	sadd.s32 $0x8, s20  }
0x1ad: {  	s21 =	sadd.s32 $0xC08, s19;
	v14 =	vld [tilespmem:s18+$0x1C0];
	v15 =	vor.u32 s30, v0;
	p0 =	slt.u32 s20, $0x78;
	[tilespmem:v8+s25+$0x0] =	vst.idx.msk $0xffff, v4  }
0x1ae: {  	s22 =	sadd.s32 $0xC09, s19;
	v4 =	vld [tilespmem:s18+$0x0];
	v8 =	vor.u32 s21, v0;
	[tilespmem:v7+s25+$0x0] =	vst.idx.msk $0xffff, v5  }
0x1af: {  	s23 =	sadd.s32 $0xC0A, s19;
	v7 =	vor.u32 s22, v0;
	v5 =	vld [tilespmem:s18+$0x40];
	[tilespmem:v9+s25+$0x0] =	vst.idx.msk $0xffff, v6  }
0x1b0: {  	s26 =	sadd.s32 $0xC0B, s19;
	v9 =	vor.u32 s23, v0;
	v6 =	vld [tilespmem:s18+$0x80];
	[tilespmem:v12+s25+$0x0] =	vst.idx.msk $0xffff, v10  }
0x1b1: {  	s28 =	sadd.s32 $0xC0C, s19;
	v12 =	vor.u32 s26, v0;
	v10 =	vld [tilespmem:s18+$0xC0];
	[tilespmem:v13+s25+$0x0] =	vst.idx.msk $0xffff, v11  }
0x1b2: {  	v13 =	vor.u32 s28, v0;
	v11 =	vld [tilespmem:s18+$0x100];
	[tilespmem:v15+s25+$0x0] =	vst.idx.msk $0xffff, v14  }
0x1b3: {  	s29 =	sadd.s32 $0xC0D, s19;
	[tilespmem:v8+s25+$0x0] =	vst.idx.msk $0xffff, v4;
	v4 =	vld [tilespmem:s18+$0x1D0];
	v8 =	vor.u32 s30, v1  }
0x1b4: {  	s19 =	sadd.s32 $0xC0E, s19;
	[tilespmem:v7+s25+$0x0] =	vst.idx.msk $0xffff, v5;
	v5 =	vld [tilespmem:s18+$0x140];
	v7 =	vor.u32 s29, v0  }
0x1b5: {  	[tilespmem:v9+s25+$0x0] =	vst.idx.msk $0xffff, v6;
	v6 =	vld [tilespmem:s18+$0x180];
	v9 =	vor.u32 s19, v0  }
0x1b6: {  	v15 =	vor.u32 s21, v1;
	v14 =	vld [tilespmem:s18+$0x10];
	[tilespmem:v12+s25+$0x0] =	vst.idx.msk $0xffff, v10  }
0x1b7: {  	v12 =	vor.u32 s22, v1;
	v10 =	vld [tilespmem:s18+$0x50];
	[tilespmem:v13+s25+$0x0] =	vst.idx.msk $0xffff, v11  }
0x1b8: {  	v13 =	vor.u32 s23, v1;
	v11 =	vld [tilespmem:s18+$0x90];
	[tilespmem:v8+s25+$0x0] =	vst.idx.msk $0xffff, v4  }
0x1b9: {  	[tilespmem:v7+s25+$0x0] =	vst.idx.msk $0xffff, v5;
	v4 =	vld [tilespmem:s18+$0x1E0];
	v5 =	vor.u32 s30, v2  }
0x1ba: {  	v8 =	vor.u32 s26, v1;
	v7 =	vld [tilespmem:s18+$0xD0];
	[tilespmem:v9+s25+$0x0] =	vst.idx.msk $0xffff, v6  }
0x1bb: {  	v9 =	vor.u32 s28, v1;
	[tilespmem:v15+s25+$0x0] =	vst.idx.msk $0xffff, v14;
	v6 =	vld [tilespmem:s18+$0x110]  }
0x1bc: {  	[tilespmem:v12+s25+$0x0] =	vst.idx.msk $0xffff, v10;
	v10 =	vld [tilespmem:s18+$0x150];
	v12 =	vor.u32 s29, v1  }
0x1bd: {  	[tilespmem:v13+s25+$0x0] =	vst.idx.msk $0xffff, v11;
	v11 =	vld [tilespmem:s18+$0x190];
	v13 =	vor.u32 s19, v1  }
0x1be: {  	v15 =	vor.u32 s21, v2;
	v14 =	vld [tilespmem:s18+$0x20];
	[tilespmem:v5+s25+$0x0] =	vst.idx.msk $0xffff, v4  }
0x1bf: {  	v5 =	vor.u32 s30, v3;
	[tilespmem:v8+s25+$0x0] =	vst.idx.msk $0xffff, v7;
	v4 =	vld [tilespmem:s18+$0x1F0]  }
0x1c0: {  	v8 =	vor.u32 s22, v2;
	v7 =	vld [tilespmem:s18+$0x60];
	[tilespmem:v9+s25+$0x0] =	vst.idx.msk $0xffff, v6  }
0x1c1: {  	v9 =	vor.u32 s23, v2;
	v6 =	vld [tilespmem:s18+$0xA0];
	[tilespmem:v12+s25+$0x0] =	vst.idx.msk $0xffff, v10  }
0x1c2: {  	v12 =	vor.u32 s26, v2;
	v10 =	vld [tilespmem:s18+$0xE0];
	[tilespmem:v13+s25+$0x0] =	vst.idx.msk $0xffff, v11  }
0x1c3: {  	[tilespmem:v15+s25+$0x0] =	vst.idx.msk $0xffff, v14;
	v14 =	vld [tilespmem:s18+$0x120];
	v15 =	vor.u32 s28, v2  }
0x1c4: {  	v17 =	vor.u32 s29, v2;
	v16 =	vld [tilespmem:s18+$0x160];
	[tilespmem:v5+s25+$0x0] =	vst.idx.msk $0xffff, v4  }
0x1c5: {  	v19 =	vor.u32 s19, v2;
	[tilespmem:v8+s25+$0x0] =	vst.idx.msk $0xffff, v7;
	v18 =	vld [tilespmem:s18+$0x1A0]  }
0x1c6: {  	v21 =	vor.u32 s21, v3;
	v20 =	vld [tilespmem:s18+$0x30];
	[tilespmem:v9+s25+$0x0] =	vst.idx.msk $0xffff, v6  }
.Ltmp3:
0x1c7: {  	v13 =	vor.u32 s22, v3;
	v11 =	vld [tilespmem:s18+$0x70];
	[tilespmem:v12+s25+$0x0] =	vst.idx.msk $0xffff, v10;
	(pc) =	sbr.rel @p0 .LBB2_8-.Ltmp3, $4  }
0x1c8: {  	v8 =	vor.u32 s23, v3;
	v4 =	vld [tilespmem:s18+$0xB0];
	[tilespmem:v15+s25+$0x0] =	vst.idx.msk $0xffff, v14  }
0x1c9: {  	v7 =	vor.u32 s26, v3;
	v5 =	vld [tilespmem:s18+$0xF0];
	[tilespmem:v17+s25+$0x0] =	vst.idx.msk $0xffff, v16  }
0x1ca: {  	v9 =	vor.u32 s28, v3;
	v6 =	vld [tilespmem:s18+$0x130];
	[tilespmem:v19+s25+$0x0] =	vst.idx.msk $0xffff, v18  }
0x1cb: {  	v12 =	vor.u32 s29, v3;
	[tilespmem:v21+s25+$0x0] =	vst.idx.msk $0xffff, v20;
	v10 =	vld [tilespmem:s18+$0x170]  }
0x1cc: {  	_ =	sdelay $0x3  }
0x1cd: {  	[tilespmem:v13+s25+$0x0] =	vst.idx.msk $0xffff, v11;
	v62 =	vld [tilespmem:s18+$0x1B0];
	v63 =	vor.u32 s19, v3  }
0x1ce: {  	[tilespmem:v8+s25+$0x0] =	vst.idx.msk $0xffff, v4  }
0x1cf: {  	[tilespmem:v7+s25+$0x0] =	vst.idx.msk $0xffff, v5  }
0x1d0: {  	[tilespmem:v9+s25+$0x0] =	vst.idx.msk $0xffff, v6  }
0x1d1: {  	[tilespmem:v12+s25+$0x0] =	vst.idx.msk $0xffff, v10  }
0x1d2: {  	[tilespmem:v63+s25+$0x0] =	vst.idx.msk $0xffff, v62  }
0x1d3: {  	[hbm4b:s4+s2] =	stream.linear.scatter [tilespmem:s25], [sflag:$0x2], $0x1000, $0x38;
	[tilespmem:$0x10400] =	vst v63  }
0x1d4: {  	s26 =	simm.s32 $0x9400  }
0x1d5: {  	[hbm4b:s6+s2] =	stream.linear.scatter [tilespmem:s26], [sflag:$0x2], $0x1000, $0x38;
	[tilespmem:$0x10400] =	vst v63  }
0x1d6: {  	s28 =	simm.s32 $0xA400  }
0x1d7: {  	[hbm4b:s7+s2] =	stream.linear.scatter [tilespmem:s28], [sflag:$0x2], $0x1000, $0x38;
	[tilespmem:$0x10400] =	vst v63  }
0x1d8: {  	s29 =	simm.s32 $0xB400  }
0x1d9: {  	[hbm4b:s8+s2] =	stream.linear.scatter [tilespmem:s29], [sflag:$0x2], $0x1000, $0x38;
	[tilespmem:$0x10400] =	vst v63  }
0x1da: {  	s30 =	simm.s32 $0xC400  }
0x1db: {  	[hbm4b:s9+s2] =	stream.linear.scatter [tilespmem:s30], [sflag:$0x2], $0x1000, $0x38;
	[tilespmem:$0x10400] =	vst v63  }
0x1dc: {  	s31 =	simm.s32 $0xD400  }
0x1dd: {  	[hbm4b:s10+s2] =	stream.linear.scatter [tilespmem:s31], [sflag:$0x2], $0x1000, $0x38;
	[tilespmem:$0x10400] =	vst v63  }
0x1de: {  	_ = 	snop  }
0x1df: {  	[hbm4b:s11+s2] =	stream.linear.scatter [tilespmem:s0], [sflag:$0x2], $0x1000, $0x38;
	[tilespmem:$0x10400] =	vst v63  }
0x1e0: {  	_ = 	snop  }
0x1e1: {  	[hbm4b:s12+s2] =	stream.linear.scatter [tilespmem:s1], [sflag:$0x2], $0x1000, $0x38;
	[tilespmem:$0x10400] =	vst v63  }
0x1e2: {  	_ =	swait.ge [sflag:s16], $0x1000  }
0x1e3: {  	[sflag:s16] =	ssyncset.done $0x0  }
0x1e4: {  	[sflag:s16] =	ssyncadd.s32 $0xFFFFF000  }
0x1e5: {  	_ =	swait.ge [sflag:s16], $0x1000  }
0x1e6: {  	[sflag:s16] =	ssyncset.done $0x0  }
0x1e7: {  	[sflag:s16] =	ssyncadd.s32 $0xFFFFF000  }
0x1e8: {  	_ =	swait.ge [sflag:s16], $0x1000  }
0x1e9: {  	[sflag:s16] =	ssyncset.done $0x0  }
0x1ea: {  	[sflag:s16] =	ssyncadd.s32 $0xFFFFF000  }
0x1eb: {  	_ =	swait.ge [sflag:s16], $0x1000  }
0x1ec: {  	[sflag:s16] =	ssyncset.done $0x0  }
0x1ed: {  	[sflag:s16] =	ssyncadd.s32 $0xFFFFF000  }
0x1ee: {  	_ =	swait.ge [sflag:s16], $0x1000  }
0x1ef: {  	[sflag:s16] =	ssyncset.done $0x0  }
0x1f0: {  	[sflag:s16] =	ssyncadd.s32 $0xFFFFF000  }
0x1f1: {  	_ =	swait.ge [sflag:s16], $0x1000  }
0x1f2: {  	[sflag:s16] =	ssyncset.done $0x0  }
0x1f3: {  	s17 =	sadd.s32 $0x1, s17;
	[sflag:s16] =	ssyncadd.s32 $0xFFFFF000  }
0x1f4: {  	p0 =	sne.s32 s17, s13;
	_ =	swait.ge [sflag:s16], $0x1000  }
.Ltmp4:
0x1f5: {  	[sflag:s16] =	ssyncset.done $0x0;
	(pc) =	sbr.rel @p0 .LBB2_1-.Ltmp4, $4  }
0x1f6: {  	[sflag:s16] =	ssyncadd.s32 $0xFFFFF000  }
0x1f7: {  	_ =	swait.ge [sflag:s16], $0x1000  }
0x1f8: {  	[sflag:s16] =	ssyncset.done $0x0  }
0x1f9: {  	[sflag:s16] =	ssyncadd.s32 $0xFFFFF000  }
0x1fa: {  	_ =	sfence.sel $0x180000  }
0x1fb: {  	[bflag:$0x0] =	sbarrier.arrive $0xFFFF  }
0x1fc: {  	_ =	strace $0x90000047  }
0x1fd: {  	s0 =	stileid.u32;
	[bflag:$0x2] =	sbarrier.arrive $0xFFFF  }
0x1fe: {  	p0 =	sne.s32 s0, $0x0;
	s0 =	rddreg [dreg:$0x3]  }
0x1ff: {  	s0 =	sadd.s32 @!p0 $0x100000, s0  }
0x200: {  	[sflag:s0] =	ssyncadd.tile.s32 @!p0 $0x1;
	_ =	shalt  }
.Lfunc_end2:
_tile_overlayer_lowered:
.L_overlay_start_2:
0x201: {  	(tag) =	ssettag $0x2  }
0x202: {  	s0 =	rddreg [dreg:$0x0];
	s2 =	stileid.u32  }
0x203: {  	s1 =	rddreg [dreg:$0x1];
	p0 =	sne.s32 s2, $0x0  }
0x204: {  	s3 =	rddreg [dreg:$0x2];
	[bflag:$0x3] =	sbarrier.arrive $0xFFFF;
	s2 =	simm.s32 @!p0 $0x1C03  }
0x205: {  	[timem:s3], [sflag:s2] =	dma.local @!p0 [hbm:s0], s1  }
0x206: {  	s0 =	simm.s32 @!p0 $0x3  }
0x207: {  	_ =	swait.ge @!p0 [sflag:s0], s1  }
0x208: {  	s1 =	ssub.s32 @!p0 $0x0, s1;
	[sflag:s0] =	ssyncset.done @!p0 $0x0  }
0x209: {  	[sflag:s0] =	ssyncadd.s32 @!p0 s1  }
0x20a: {  	[bflag:$0x3] =	sbarrier.arrive $0xFFFF  }
0x20b: {  	_ =	shalt  }

</sc_bundles>
